<compile_context>
chip_gen: v7x
topology: tpu7x:2x2x1
jax: 0.10.2.dev20260603
libtpu: 0.0.44.dev20260713+nightly
codegen_flags: <defaults>
</compile_context>

<pallas_src>
import functools
import math

import jax
import jax.numpy as jnp
from jax import lax
from jax.experimental import pallas as pl
from jax.experimental.pallas import tpu as pltpu
from jax.experimental.pallas import tpu_sc as plsc

B = 16384
FEAT = 64
CHUNK = 128


def _pairs_body(a_ref, out_ref, *, vocab):
    a = a_ref[...]
    lane = (lax.broadcasted_iota(jnp.int32, a.shape, 1)
            + pl.program_id(0) * a.shape[1])
    a = jnp.where(lane < vocab, a, 0.0)
    p = a.shape[1] // 2
    a2 = jnp.concatenate([a[:, :p], a[:, p:]], axis=0).astype(jnp.bfloat16)
    ii = lax.broadcasted_iota(jnp.int32, (2 * FEAT, 2 * FEAT), 0)
    jj = lax.broadcasted_iota(jnp.int32, (2 * FEAT, 2 * FEAT), 1)
    eye = jnp.where(ii == jj, 1.0, 0.0).astype(jnp.bfloat16)
    out_ref[...] = lax.dot_general(a2, eye, (((0,), (0,)), ((), ())),
                                   preferred_element_type=jnp.float32)


def _pairs(tab_t, vocab, lblk):
    grid = ((vocab + lblk - 1) // lblk,)
    half = grid[0] * (lblk // 2)
    return pl.pallas_call(
        functools.partial(_pairs_body, vocab=vocab),
        grid=grid,
        in_specs=[pl.BlockSpec((FEAT, lblk), lambda i: (0, i))],
        out_specs=pl.BlockSpec((lblk // 2, 2 * FEAT), lambda i: (i, 0)),
        out_shape=jax.ShapeDtypeStruct((half, 2 * FEAT), jnp.float32),
    )(tab_t)


def _gather_n(idx_tabs):
    n = len(idx_tabs)
    info = plsc.get_sparse_core_info()
    nw = info.num_cores * info.num_subcores
    b_per_w = B // nw
    n_chunks = b_per_w // CHUNK

    mesh = plsc.VectorSubcoreMesh(core_axis_name="c", subcore_axis_name="s")

    @functools.partial(
        pl.kernel,
        mesh=mesh,
        out_type=[jax.ShapeDtypeStruct((B, 2 * FEAT), jnp.float32)] * n,
        scratch_types=(
            [pltpu.VMEM((n_chunks, CHUNK), jnp.int32)] * n
            + [pltpu.VMEM((2, CHUNK, 2 * FEAT), jnp.float32)] * n
            + [pltpu.SemaphoreType.DMA] * 2
        ),
    )
    def gather_k(*refs):
        idx_r = refs[:n]
        tabs = refs[n:2 * n]
        outs = refs[2 * n:3 * n]
        idxs = refs[3 * n:4 * n]
        rows = refs[4 * n:5 * n]
        gsem, wsem = refs[5 * n:]
        wid = lax.axis_index("s") * info.num_cores + lax.axis_index("c")
        base = wid * b_per_w
        for t in range(n):
            pltpu.sync_copy(idx_r[t].at[wid], idxs[t])
        gathers = [[None] * n for _ in range(n_chunks)]
        writes = [[None] * n for _ in range(n_chunks)]
        for j in range(n_chunks):
            b = j % 2
            if j >= 2:
                for t in range(n):
                    writes[j - 2][t].wait()
            for t in range(n):
                gathers[j][t] = pltpu.async_copy(
                    tabs[t].at[idxs[t].at[j]], rows[t].at[b], gsem)
            for t in range(n):
                gathers[j][t].wait()
            dst = pl.ds(base + j * CHUNK, CHUNK)
            for t in range(n):
                writes[j][t] = pltpu.async_copy(rows[t].at[b], outs[t].at[dst], wsem)
        for j in range(n_chunks - 2, n_chunks):
            for t in range(n):
                writes[j][t].wait()

    args = [it[0] for it in idx_tabs] + [it[1] for it in idx_tabs]
    res = gather_k(*args)
    return list(res) if isinstance(res, (list, tuple)) else [res]


_INV_SQRT2 = 1.0 / math.sqrt(2.0)


def _gelu(x):
    return 0.5 * x * (1.0 + lax.erf(x * _INV_SQRT2))


def _ln(x, eps=1e-5):
    mu = jnp.mean(x, axis=-1, keepdims=True)
    var = jnp.mean((x - mu) * (x - mu), axis=-1, keepdims=True)
    return (x - mu) * lax.rsqrt(var + eps)


def _half(buf, flag_ref):
    p = flag_ref[...] != 0
    return jnp.where(p, buf[:, FEAT:2 * FEAT], buf[:, 0:FEAT])


def _mlp_body(id_ref, loc_ref, age_ref, fid_ref, floc_ref, fage_ref,
              w1_ref, b1_ref, w2_ref, b2_ref, w3_ref, b3_ref, out_ref):
    w1 = w1_ref[...]
    id_emb = _half(id_ref[...], fid_ref)
    loc_emb = _half(loc_ref[...], floc_ref)
    age_emb = _half(age_ref[...], fage_ref)
    h = (
        jnp.dot(id_emb, w1[0:FEAT], preferred_element_type=jnp.float32)
        + jnp.dot(loc_emb, w1[FEAT:2 * FEAT], preferred_element_type=jnp.float32)
        + jnp.dot(age_emb, w1[2 * FEAT:3 * FEAT], preferred_element_type=jnp.float32)
        + b1_ref[...]
    )
    h = _gelu(_ln(h))
    h = jnp.dot(h, w2_ref[...], preferred_element_type=jnp.float32) + b2_ref[...]
    h = _gelu(_ln(h))
    h = jnp.dot(h, w3_ref[...], preferred_element_type=jnp.float32) + b3_ref[...]
    out_ref[...] = _gelu(h)


def _mlp(id_emb, loc_emb, age_emb, fid, floc, fage, W1, b1, W2, b2, W3, b3,
         blk=2048):
    grid = (B // blk,)
    rep = lambda i: (0, 0)
    row = lambda i: (i, 0)
    return pl.pallas_call(
        _mlp_body,
        grid=grid,
        in_specs=[
            pl.BlockSpec((blk, 2 * FEAT), row),
            pl.BlockSpec((blk, 2 * FEAT), row),
            pl.BlockSpec((blk, 2 * FEAT), row),
            pl.BlockSpec((blk, 1), row),
            pl.BlockSpec((blk, 1), row),
            pl.BlockSpec((blk, 1), row),
            pl.BlockSpec((3 * FEAT, 128), rep),
            pl.BlockSpec((1, 128), rep),
            pl.BlockSpec((128, 64), rep),
            pl.BlockSpec((1, 64), rep),
            pl.BlockSpec((64, 128), rep),
            pl.BlockSpec((1, 128), rep),
        ],
        out_specs=pl.BlockSpec((blk, 128), row),
        out_shape=jax.ShapeDtypeStruct((B, 128), jnp.float32),
    )(id_emb, loc_emb, age_emb, fid, floc, fage, W1, b1.reshape(1, -1),
      W2, b2.reshape(1, -1), W3, b3.reshape(1, -1))


def kernel(user_ids, user_locations, user_ages, id_table, loc_table, age_table,
           W1, b1, W2, b2, W3, b3):
    info = plsc.get_sparse_core_info()
    nw = info.num_cores * info.num_subcores
    b_per_w = B // nw
    n_chunks = b_per_w // CHUNK

    ids = user_ids.astype(jnp.int32)
    locs = user_locations.astype(jnp.int32)
    ages = user_ages.astype(jnp.int32)

    def pair_idx(r, lblk):
        q = lax.rem(r, lblk)
        half = lblk // 2
        p = (r // lblk) * half + lax.rem(q, half)
        flag = (q >= half).astype(jnp.int32)
        return p, flag

    loc_pairs = _pairs(loc_table.T, 100000, 32768)
    age_pairs = _pairs(age_table.T, 1000, 1000)
    id_pairs = _pairs(id_table.T, 1000000, 32768)

    p_id, f_id = pair_idx(ids, 32768)
    p_loc, f_loc = pair_idx(locs, 32768)
    p_age, f_age = pair_idx(ages, 1000)

    loc_emb, age_emb = _gather_n([
        (p_loc.reshape(nw, n_chunks, CHUNK), loc_pairs),
        (p_age.reshape(nw, n_chunks, CHUNK), age_pairs),
    ])
    (id_emb,) = _gather_n([
        (p_id.reshape(nw, n_chunks, CHUNK), id_pairs),
    ])
    return _mlp(id_emb, loc_emb, age_emb,
                f_id.reshape(B, 1), f_loc.reshape(B, 1), f_age.reshape(B, 1),
                W1, b1, W2, b2, W3, b3)

# --- scband reference (transcript-rebuilt; emitter-appended) ---
"""Pipeline reference for scband-book-crossing-sparse-nnuser-model-369367187698 (READ-ONLY COPY).

The authoritative reference and input builder live on the scoring server;
editing this copy changes nothing except your own understanding.
"""

import jax, jax.numpy as jnp
import numpy as np


def _layernorm(x, eps=1e-5):
    mu = jnp.mean(x, axis=-1, keepdims=True)
    var = jnp.var(x, axis=-1, keepdims=True)
    return (x - mu) / jnp.sqrt(var + eps)


def setup_inputs(seed: int = 0) -> dict:
    key = jax.random.key(seed)
    ks = jax.random.split(key, 12)
    B = 16384
    feat = 64
    return {
        "user_ids": jax.random.randint(ks[0], (B,), 0, 1000000),
        "user_locations": jax.random.randint(ks[1], (B,), 0, 100000),
        "user_ages": jax.random.randint(ks[2], (B,), 0, 1000),
        "id_table": jax.random.normal(ks[3], (1000000, feat), jnp.float32) * 0.02,
        "loc_table": jax.random.normal(ks[4], (100000, feat), jnp.float32) * 0.02,
        "age_table": jax.random.normal(ks[5], (1000, feat), jnp.float32) * 0.02,
        "W1": jax.random.normal(ks[6], (3 * feat, 128), jnp.float32) * 0.05,
        "b1": jnp.zeros((128,), jnp.float32),
        "W2": jax.random.normal(ks[7], (128, 64), jnp.float32) * 0.05,
        "b2": jnp.zeros((64,), jnp.float32),
        "W3": jax.random.normal(ks[8], (64, 128), jnp.float32) * 0.05,
        "b3": jnp.zeros((128,), jnp.float32),
    }


def reference(user_ids, user_locations, user_ages, id_table, loc_table, age_table, W1, b1, W2, b2, W3, b3):
    id_emb = jnp.take(id_table, user_ids, axis=0)
    loc_emb = jnp.take(loc_table, user_locations, axis=0)
    age_emb = jnp.take(age_table, user_ages, axis=0)
    h = jnp.concatenate([id_emb, loc_emb, age_emb], axis=1)
    h = jax.nn.gelu(_layernorm(h @ W1 + b1), approximate=False)
    h = jax.nn.gelu(_layernorm(h @ W2 + b2), approximate=False)
    h = jax.nn.gelu(h @ W3 + b3, approximate=False)
    return h

if __name__ == "__main__":
    import jax
    _d = setup_inputs()
    print(jax.jit(kernel)(*tuple(_d.values())))

</pallas_src>

<mosaic_0001>
#map = affine_map<(d0, d1) -> (0, 0, 0)>
#map1 = affine_map<(d0, d1) -> (0, 0)>
module attributes {stable_mosaic.version = 14 : i64} {
  func.func @gather_k(%arg0: i32, %arg1: i32, %arg2: memref<32x4x128xi32, #tpu.memory_space<hbm>>, %arg3: memref<507904x128xf32, #tpu.memory_space<hbm>>, %arg4: memref<16384x128xf32, #tpu.memory_space<hbm>>, %arg5: memref<4x128xi32, #tpu.memory_space<vmem>>, %arg6: memref<2x128x128xf32, #tpu.memory_space<vmem>>, %arg7: memref<!tpu.dma_semaphore, #tpu.memory_space<semaphore_mem>>, %arg8: memref<!tpu.dma_semaphore, #tpu.memory_space<semaphore_mem>>) attributes {dimension_semantics = [#tpu.dimension_semantics<core_parallel>, #tpu.dimension_semantics<subcore_parallel>], iteration_bounds = array<i64: 2, 16>, scalar_prefetch = 0 : i64, scratch_operands = 4 : i64, tpu.core_type = #tpu.core_type<sc_vector_subcore>, window_params = [{transform_indices = #map}, {transform_indices = #map1}, {transform_indices = #map1}]} {
    %mul3A = arith.constant 2 : i32
    %mul3A_0 = arith.muli %arg1, %mul3A : i32
    %add3A = arith.addi %mul3A_0, %arg0 : i32
    %mul3A_1 = arith.constant 512 : i32
    %mul3A_2 = arith.muli %add3A, %mul3A_1 : i32
    "tpu.region"() ({
      %run_scoped3A = tpu.sem_alloc : memref<!tpu.dma_semaphore, #tpu.memory_space<semaphore_mem>>
      %dma_start3A_209 = arith.constant 0 : i32
      %dma_start3A_210 = arith.constant 0 : i32
      %dma_start3A_211 = tpu.memref_slice %arg2[%add3A, %dma_start3A_209, %dma_start3A_210] : memref<32x4x128xi32, #tpu.memory_space<hbm>> -> memref<1x4x128xi32, #tpu.memory_space<hbm>>
      %dma_start3A_212 = tpu.memref_squeeze %dma_start3A_211 : memref<1x4x128xi32, #tpu.memory_space<hbm>> -> memref<4x128xi32, #tpu.memory_space<hbm>>
      %dma_start3A_213 = arith.constant 0 : i32
      %dma_start3A_214 = arith.constant 0 : i32
      %dma_start3A_215 = tpu.memref_slice %arg2[%add3A, %dma_start3A_213, %dma_start3A_214] : memref<32x4x128xi32, #tpu.memory_space<hbm>> -> memref<1x4x128xi32, #tpu.memory_space<hbm>>
      %dma_start3A_216 = tpu.memref_squeeze %dma_start3A_215 : memref<1x4x128xi32, #tpu.memory_space<hbm>> -> memref<4x128xi32, #tpu.memory_space<hbm>>
      tpu.enqueue_dma source(%dma_start3A_216 : memref<4x128xi32, #tpu.memory_space<hbm>>) target(%arg5 : memref<4x128xi32, #tpu.memory_space<vmem>>) target_semaphore(%run_scoped3A : memref<!tpu.dma_semaphore, #tpu.memory_space<semaphore_mem>>)
      %dma_wait3A_217 = arith.constant 0 : i32
      %dma_wait3A_218 = arith.constant 0 : i32
      %dma_wait3A_219 = tpu.memref_slice %arg2[%add3A, %dma_wait3A_217, %dma_wait3A_218] : memref<32x4x128xi32, #tpu.memory_space<hbm>> -> memref<1x4x128xi32, #tpu.memory_space<hbm>>
      %dma_wait3A_220 = tpu.memref_squeeze %dma_wait3A_219 : memref<1x4x128xi32, #tpu.memory_space<hbm>> -> memref<4x128xi32, #tpu.memory_space<hbm>>
      %dma_wait3A_221 = arith.constant 0 : i32
      %dma_wait3A_222 = arith.constant 0 : i32
      %dma_wait3A_223 = tpu.memref_slice %arg2[%add3A, %dma_wait3A_221, %dma_wait3A_222] : memref<32x4x128xi32, #tpu.memory_space<hbm>> -> memref<1x4x128xi32, #tpu.memory_space<hbm>>
      %dma_wait3A_224 = tpu.memref_squeeze %dma_wait3A_223 : memref<1x4x128xi32, #tpu.memory_space<hbm>> -> memref<4x128xi32, #tpu.memory_space<hbm>>
      tpu.wait_dma2 semaphore(%run_scoped3A : memref<!tpu.dma_semaphore, #tpu.memory_space<semaphore_mem>>) src(%dma_wait3A_224 : memref<4x128xi32, #tpu.memory_space<hbm>>) dst(%arg5 : memref<4x128xi32, #tpu.memory_space<vmem>>)
      tpu.yield
    }) : () -> ()
    %dma_start3A = arith.constant 0 : i32
    %dma_start3A_3 = arith.constant 0 : i32
    %dma_start3A_4 = arith.constant 0 : i32
    %dma_start3A_5 = arith.constant 0 : i32
    %dma_start3A_6 = tpu.memref_slice %arg6[%dma_start3A_3, %dma_start3A_4, %dma_start3A_5] : memref<2x128x128xf32, #tpu.memory_space<vmem>> -> memref<1x128x128xf32, #tpu.memory_space<vmem>>
    %dma_start3A_7 = tpu.memref_squeeze %dma_start3A_6 : memref<1x128x128xf32, #tpu.memory_space<vmem>> -> memref<128x128xf32, #tpu.memory_space<vmem>>
    %dma_start3A_8 = arith.constant 0 : i32
    %dma_start3A_9 = tpu.memref_slice %arg5[%dma_start3A, %dma_start3A_8] : memref<4x128xi32, #tpu.memory_space<vmem>> -> memref<1x128xi32, #tpu.memory_space<vmem>>
    %dma_start3A_10 = tpu.memref_squeeze %dma_start3A_9 : memref<1x128xi32, #tpu.memory_space<vmem>> -> memref<128xi32, #tpu.memory_space<vmem>>
    %dma_start3A_11 = arith.constant 0 : i32
    %dma_start3A_12 = arith.constant 0 : i32
    %dma_start3A_13 = tpu.memref_slice %arg3[%dma_start3A_11, %dma_start3A_12] : memref<507904x128xf32, #tpu.memory_space<hbm>> -> memref<507904x128xf32, #tpu.memory_space<hbm>>
    tpu.enqueue_indirect_dma source(%dma_start3A_13 : memref<507904x128xf32, #tpu.memory_space<hbm>>) target(%dma_start3A_7 : memref<128x128xf32, #tpu.memory_space<vmem>>) offsets(%dma_start3A_10 : memref<128xi32, #tpu.memory_space<vmem>>) semaphore(%arg7 : memref<!tpu.dma_semaphore, #tpu.memory_space<semaphore_mem>>)
    %dma_wait3A = arith.constant 0 : i32
    %dma_wait3A_14 = arith.constant 0 : i32
    %dma_wait3A_15 = arith.constant 0 : i32
    %dma_wait3A_16 = arith.constant 0 : i32
    %dma_wait3A_17 = tpu.memref_slice %arg6[%dma_wait3A_14, %dma_wait3A_15, %dma_wait3A_16] : memref<2x128x128xf32, #tpu.memory_space<vmem>> -> memref<1x128x128xf32, #tpu.memory_space<vmem>>
    %dma_wait3A_18 = tpu.memref_squeeze %dma_wait3A_17 : memref<1x128x128xf32, #tpu.memory_space<vmem>> -> memref<128x128xf32, #tpu.memory_space<vmem>>
    %dma_wait3A_19 = arith.constant 0 : i32
    %dma_wait3A_20 = tpu.memref_slice %arg5[%dma_wait3A, %dma_wait3A_19] : memref<4x128xi32, #tpu.memory_space<vmem>> -> memref<1x128xi32, #tpu.memory_space<vmem>>
    %dma_wait3A_21 = tpu.memref_squeeze %dma_wait3A_20 : memref<1x128xi32, #tpu.memory_space<vmem>> -> memref<128xi32, #tpu.memory_space<vmem>>
    %dma_wait3A_22 = arith.constant 0 : i32
    %dma_wait3A_23 = arith.constant 0 : i32
    %dma_wait3A_24 = tpu.memref_slice %arg3[%dma_wait3A_22, %dma_wait3A_23] : memref<507904x128xf32, #tpu.memory_space<hbm>> -> memref<507904x128xf32, #tpu.memory_space<hbm>>
    tpu.wait_indirect_dma semaphore(%arg7 : memref<!tpu.dma_semaphore, #tpu.memory_space<semaphore_mem>>) src(%dma_wait3A_24 : memref<507904x128xf32, #tpu.memory_space<hbm>>) dst(%dma_wait3A_18 : memref<128x128xf32, #tpu.memory_space<vmem>>)
    %add3A_25 = arith.constant 0 : i32
    %add3A_26 = arith.addi %mul3A_2, %add3A_25 : i32
    %dma_start3A_27 = arith.constant 0 : i32
    %dma_start3A_28 = arith.constant 0 : i32
    %dma_start3A_29 = arith.constant 0 : i32
    %dma_start3A_30 = tpu.memref_slice %arg6[%dma_start3A_27, %dma_start3A_28, %dma_start3A_29] : memref<2x128x128xf32, #tpu.memory_space<vmem>> -> memref<1x128x128xf32, #tpu.memory_space<vmem>>
    %dma_start3A_31 = tpu.memref_squeeze %dma_start3A_30 : memref<1x128x128xf32, #tpu.memory_space<vmem>> -> memref<128x128xf32, #tpu.memory_space<vmem>>
    %dma_start3A_32 = arith.constant 0 : i32
    %dma_start3A_33 = tpu.memref_slice %arg4[%add3A_26, %dma_start3A_32] : memref<16384x128xf32, #tpu.memory_space<hbm>> -> memref<128x128xf32, #tpu.memory_space<hbm>>
    %dma_start3A_34 = arith.constant 0 : i32
    %dma_start3A_35 = tpu.memref_slice %arg4[%add3A_26, %dma_start3A_34] : memref<16384x128xf32, #tpu.memory_space<hbm>> -> memref<128x128xf32, #tpu.memory_space<hbm>>
    %dma_start3A_36 = arith.constant 0 : i32
    %dma_start3A_37 = arith.constant 0 : i32
    %dma_start3A_38 = tpu.memref_slice %arg6[%dma_start3A_27, %dma_start3A_36, %dma_start3A_37] : memref<2x128x128xf32, #tpu.memory_space<vmem>> -> memref<1x128x128xf32, #tpu.memory_space<vmem>>
    %dma_start3A_39 = tpu.memref_squeeze %dma_start3A_38 : memref<1x128x128xf32, #tpu.memory_space<vmem>> -> memref<128x128xf32, #tpu.memory_space<vmem>>
    tpu.enqueue_dma source(%dma_start3A_39 : memref<128x128xf32, #tpu.memory_space<vmem>>) target(%dma_start3A_35 : memref<128x128xf32, #tpu.memory_space<hbm>>) target_semaphore(%arg8 : memref<!tpu.dma_semaphore, #tpu.memory_space<semaphore_mem>>)
    %dma_start3A_40 = arith.constant 1 : i32
    %dma_start3A_41 = arith.constant 1 : i32
    %dma_start3A_42 = arith.constant 0 : i32
    %dma_start3A_43 = arith.constant 0 : i32
    %dma_start3A_44 = tpu.memref_slice %arg6[%dma_start3A_41, %dma_start3A_42, %dma_start3A_43] : memref<2x128x128xf32, #tpu.memory_space<vmem>> -> memref<1x128x128xf32, #tpu.memory_space<vmem>>
    %dma_start3A_45 = tpu.memref_squeeze %dma_start3A_44 : memref<1x128x128xf32, #tpu.memory_space<vmem>> -> memref<128x128xf32, #tpu.memory_space<vmem>>
    %dma_start3A_46 = arith.constant 0 : i32
    %dma_start3A_47 = tpu.memref_slice %arg5[%dma_start3A_40, %dma_start3A_46] : memref<4x128xi32, #tpu.memory_space<vmem>> -> memref<1x128xi32, #tpu.memory_space<vmem>>
    %dma_start3A_48 = tpu.memref_squeeze %dma_start3A_47 : memref<1x128xi32, #tpu.memory_space<vmem>> -> memref<128xi32, #tpu.memory_space<vmem>>
    %dma_start3A_49 = arith.constant 0 : i32
    %dma_start3A_50 = arith.constant 0 : i32
    %dma_start3A_51 = tpu.memref_slice %arg3[%dma_start3A_49, %dma_start3A_50] : memref<507904x128xf32, #tpu.memory_space<hbm>> -> memref<507904x128xf32, #tpu.memory_space<hbm>>
    tpu.enqueue_indirect_dma source(%dma_start3A_51 : memref<507904x128xf32, #tpu.memory_space<hbm>>) target(%dma_start3A_45 : memref<128x128xf32, #tpu.memory_space<vmem>>) offsets(%dma_start3A_48 : memref<128xi32, #tpu.memory_space<vmem>>) semaphore(%arg7 : memref<!tpu.dma_semaphore, #tpu.memory_space<semaphore_mem>>)
    %dma_wait3A_52 = arith.constant 1 : i32
    %dma_wait3A_53 = arith.constant 1 : i32
    %dma_wait3A_54 = arith.constant 0 : i32
    %dma_wait3A_55 = arith.constant 0 : i32
    %dma_wait3A_56 = tpu.memref_slice %arg6[%dma_wait3A_53, %dma_wait3A_54, %dma_wait3A_55] : memref<2x128x128xf32, #tpu.memory_space<vmem>> -> memref<1x128x128xf32, #tpu.memory_space<vmem>>
    %dma_wait3A_57 = tpu.memref_squeeze %dma_wait3A_56 : memref<1x128x128xf32, #tpu.memory_space<vmem>> -> memref<128x128xf32, #tpu.memory_space<vmem>>
    %dma_wait3A_58 = arith.constant 0 : i32
    %dma_wait3A_59 = tpu.memref_slice %arg5[%dma_wait3A_52, %dma_wait3A_58] : memref<4x128xi32, #tpu.memory_space<vmem>> -> memref<1x128xi32, #tpu.memory_space<vmem>>
    %dma_wait3A_60 = tpu.memref_squeeze %dma_wait3A_59 : memref<1x128xi32, #tpu.memory_space<vmem>> -> memref<128xi32, #tpu.memory_space<vmem>>
    %dma_wait3A_61 = arith.constant 0 : i32
    %dma_wait3A_62 = arith.constant 0 : i32
    %dma_wait3A_63 = tpu.memref_slice %arg3[%dma_wait3A_61, %dma_wait3A_62] : memref<507904x128xf32, #tpu.memory_space<hbm>> -> memref<507904x128xf32, #tpu.memory_space<hbm>>
    tpu.wait_indirect_dma semaphore(%arg7 : memref<!tpu.dma_semaphore, #tpu.memory_space<semaphore_mem>>) src(%dma_wait3A_63 : memref<507904x128xf32, #tpu.memory_space<hbm>>) dst(%dma_wait3A_57 : memref<128x128xf32, #tpu.memory_space<vmem>>)
    %add3A_64 = arith.constant 128 : i32
    %add3A_65 = arith.addi %mul3A_2, %add3A_64 : i32
    %dma_start3A_66 = arith.constant 1 : i32
    %dma_start3A_67 = arith.constant 0 : i32
    %dma_start3A_68 = arith.constant 0 : i32
    %dma_start3A_69 = tpu.memref_slice %arg6[%dma_start3A_66, %dma_start3A_67, %dma_start3A_68] : memref<2x128x128xf32, #tpu.memory_space<vmem>> -> memref<1x128x128xf32, #tpu.memory_space<vmem>>
    %dma_start3A_70 = tpu.memref_squeeze %dma_start3A_69 : memref<1x128x128xf32, #tpu.memory_space<vmem>> -> memref<128x128xf32, #tpu.memory_space<vmem>>
    %dma_start3A_71 = arith.constant 0 : i32
    %dma_start3A_72 = tpu.memref_slice %arg4[%add3A_65, %dma_start3A_71] : memref<16384x128xf32, #tpu.memory_space<hbm>> -> memref<128x128xf32, #tpu.memory_space<hbm>>
    %dma_start3A_73 = arith.constant 0 : i32
    %dma_start3A_74 = tpu.memref_slice %arg4[%add3A_65, %dma_start3A_73] : memref<16384x128xf32, #tpu.memory_space<hbm>> -> memref<128x128xf32, #tpu.memory_space<hbm>>
    %dma_start3A_75 = arith.constant 0 : i32
    %dma_start3A_76 = arith.constant 0 : i32
    %dma_start3A_77 = tpu.memref_slice %arg6[%dma_start3A_66, %dma_start3A_75, %dma_start3A_76] : memref<2x128x128xf32, #tpu.memory_space<vmem>> -> memref<1x128x128xf32, #tpu.memory_space<vmem>>
    %dma_start3A_78 = tpu.memref_squeeze %dma_start3A_77 : memref<1x128x128xf32, #tpu.memory_space<vmem>> -> memref<128x128xf32, #tpu.memory_space<vmem>>
    tpu.enqueue_dma source(%dma_start3A_78 : memref<128x128xf32, #tpu.memory_space<vmem>>) target(%dma_start3A_74 : memref<128x128xf32, #tpu.memory_space<hbm>>) target_semaphore(%arg8 : memref<!tpu.dma_semaphore, #tpu.memory_space<semaphore_mem>>)
    %dma_wait3A_79 = arith.constant 0 : i32
    %dma_wait3A_80 = arith.constant 0 : i32
    %dma_wait3A_81 = arith.constant 0 : i32
    %dma_wait3A_82 = tpu.memref_slice %arg6[%dma_wait3A_79, %dma_wait3A_80, %dma_wait3A_81] : memref<2x128x128xf32, #tpu.memory_space<vmem>> -> memref<1x128x128xf32, #tpu.memory_space<vmem>>
    %dma_wait3A_83 = tpu.memref_squeeze %dma_wait3A_82 : memref<1x128x128xf32, #tpu.memory_space<vmem>> -> memref<128x128xf32, #tpu.memory_space<vmem>>
    %dma_wait3A_84 = arith.constant 0 : i32
    %dma_wait3A_85 = tpu.memref_slice %arg4[%add3A_26, %dma_wait3A_84] : memref<16384x128xf32, #tpu.memory_space<hbm>> -> memref<128x128xf32, #tpu.memory_space<hbm>>
    %dma_wait3A_86 = arith.constant 0 : i32
    %dma_wait3A_87 = tpu.memref_slice %arg4[%add3A_26, %dma_wait3A_86] : memref<16384x128xf32, #tpu.memory_space<hbm>> -> memref<128x128xf32, #tpu.memory_space<hbm>>
    %dma_wait3A_88 = arith.constant 0 : i32
    %dma_wait3A_89 = arith.constant 0 : i32
    %dma_wait3A_90 = tpu.memref_slice %arg6[%dma_wait3A_79, %dma_wait3A_88, %dma_wait3A_89] : memref<2x128x128xf32, #tpu.memory_space<vmem>> -> memref<1x128x128xf32, #tpu.memory_space<vmem>>
    %dma_wait3A_91 = tpu.memref_squeeze %dma_wait3A_90 : memref<1x128x128xf32, #tpu.memory_space<vmem>> -> memref<128x128xf32, #tpu.memory_space<vmem>>
    tpu.wait_dma2 semaphore(%arg8 : memref<!tpu.dma_semaphore, #tpu.memory_space<semaphore_mem>>) src(%dma_wait3A_91 : memref<128x128xf32, #tpu.memory_space<vmem>>) dst(%dma_wait3A_87 : memref<128x128xf32, #tpu.memory_space<hbm>>)
    %dma_start3A_92 = arith.constant 2 : i32
    %dma_start3A_93 = arith.constant 0 : i32
    %dma_start3A_94 = arith.constant 0 : i32
    %dma_start3A_95 = arith.constant 0 : i32
    %dma_start3A_96 = tpu.memref_slice %arg6[%dma_start3A_93, %dma_start3A_94, %dma_start3A_95] : memref<2x128x128xf32, #tpu.memory_space<vmem>> -> memref<1x128x128xf32, #tpu.memory_space<vmem>>
    %dma_start3A_97 = tpu.memref_squeeze %dma_start3A_96 : memref<1x128x128xf32, #tpu.memory_space<vmem>> -> memref<128x128xf32, #tpu.memory_space<vmem>>
    %dma_start3A_98 = arith.constant 0 : i32
    %dma_start3A_99 = tpu.memref_slice %arg5[%dma_start3A_92, %dma_start3A_98] : memref<4x128xi32, #tpu.memory_space<vmem>> -> memref<1x128xi32, #tpu.memory_space<vmem>>
    %dma_start3A_100 = tpu.memref_squeeze %dma_start3A_99 : memref<1x128xi32, #tpu.memory_space<vmem>> -> memref<128xi32, #tpu.memory_space<vmem>>
    %dma_start3A_101 = arith.constant 0 : i32
    %dma_start3A_102 = arith.constant 0 : i32
    %dma_start3A_103 = tpu.memref_slice %arg3[%dma_start3A_101, %dma_start3A_102] : memref<507904x128xf32, #tpu.memory_space<hbm>> -> memref<507904x128xf32, #tpu.memory_space<hbm>>
    tpu.enqueue_indirect_dma source(%dma_start3A_103 : memref<507904x128xf32, #tpu.memory_space<hbm>>) target(%dma_start3A_97 : memref<128x128xf32, #tpu.memory_space<vmem>>) offsets(%dma_start3A_100 : memref<128xi32, #tpu.memory_space<vmem>>) semaphore(%arg7 : memref<!tpu.dma_semaphore, #tpu.memory_space<semaphore_mem>>)
    %dma_wait3A_104 = arith.constant 2 : i32
    %dma_wait3A_105 = arith.constant 0 : i32
    %dma_wait3A_106 = arith.constant 0 : i32
    %dma_wait3A_107 = arith.constant 0 : i32
    %dma_wait3A_108 = tpu.memref_slice %arg6[%dma_wait3A_105, %dma_wait3A_106, %dma_wait3A_107] : memref<2x128x128xf32, #tpu.memory_space<vmem>> -> memref<1x128x128xf32, #tpu.memory_space<vmem>>
    %dma_wait3A_109 = tpu.memref_squeeze %dma_wait3A_108 : memref<1x128x128xf32, #tpu.memory_space<vmem>> -> memref<128x128xf32, #tpu.memory_space<vmem>>
    %dma_wait3A_110 = arith.constant 0 : i32
    %dma_wait3A_111 = tpu.memref_slice %arg5[%dma_wait3A_104, %dma_wait3A_110] : memref<4x128xi32, #tpu.memory_space<vmem>> -> memref<1x128xi32, #tpu.memory_space<vmem>>
    %dma_wait3A_112 = tpu.memref_squeeze %dma_wait3A_111 : memref<1x128xi32, #tpu.memory_space<vmem>> -> memref<128xi32, #tpu.memory_space<vmem>>
    %dma_wait3A_113 = arith.constant 0 : i32
    %dma_wait3A_114 = arith.constant 0 : i32
    %dma_wait3A_115 = tpu.memref_slice %arg3[%dma_wait3A_113, %dma_wait3A_114] : memref<507904x128xf32, #tpu.memory_space<hbm>> -> memref<507904x128xf32, #tpu.memory_space<hbm>>
    tpu.wait_indirect_dma semaphore(%arg7 : memref<!tpu.dma_semaphore, #tpu.memory_space<semaphore_mem>>) src(%dma_wait3A_115 : memref<507904x128xf32, #tpu.memory_space<hbm>>) dst(%dma_wait3A_109 : memref<128x128xf32, #tpu.memory_space<vmem>>)
    %add3A_116 = arith.constant 256 : i32
    %add3A_117 = arith.addi %mul3A_2, %add3A_116 : i32
    %dma_start3A_118 = arith.constant 0 : i32
    %dma_start3A_119 = arith.constant 0 : i32
    %dma_start3A_120 = arith.constant 0 : i32
    %dma_start3A_121 = tpu.memref_slice %arg6[%dma_start3A_118, %dma_start3A_119, %dma_start3A_120] : memref<2x128x128xf32, #tpu.memory_space<vmem>> -> memref<1x128x128xf32, #tpu.memory_space<vmem>>
    %dma_start3A_122 = tpu.memref_squeeze %dma_start3A_121 : memref<1x128x128xf32, #tpu.memory_space<vmem>> -> memref<128x128xf32, #tpu.memory_space<vmem>>
    %dma_start3A_123 = arith.constant 0 : i32
    %dma_start3A_124 = tpu.memref_slice %arg4[%add3A_117, %dma_start3A_123] : memref<16384x128xf32, #tpu.memory_space<hbm>> -> memref<128x128xf32, #tpu.memory_space<hbm>>
    %dma_start3A_125 = arith.constant 0 : i32
    %dma_start3A_126 = tpu.memref_slice %arg4[%add3A_117, %dma_start3A_125] : memref<16384x128xf32, #tpu.memory_space<hbm>> -> memref<128x128xf32, #tpu.memory_space<hbm>>
    %dma_start3A_127 = arith.constant 0 : i32
    %dma_start3A_128 = arith.constant 0 : i32
    %dma_start3A_129 = tpu.memref_slice %arg6[%dma_start3A_118, %dma_start3A_127, %dma_start3A_128] : memref<2x128x128xf32, #tpu.memory_space<vmem>> -> memref<1x128x128xf32, #tpu.memory_space<vmem>>
    %dma_start3A_130 = tpu.memref_squeeze %dma_start3A_129 : memref<1x128x128xf32, #tpu.memory_space<vmem>> -> memref<128x128xf32, #tpu.memory_space<vmem>>
    tpu.enqueue_dma source(%dma_start3A_130 : memref<128x128xf32, #tpu.memory_space<vmem>>) target(%dma_start3A_126 : memref<128x128xf32, #tpu.memory_space<hbm>>) target_semaphore(%arg8 : memref<!tpu.dma_semaphore, #tpu.memory_space<semaphore_mem>>)
    %dma_wait3A_131 = arith.constant 1 : i32
    %dma_wait3A_132 = arith.constant 0 : i32
    %dma_wait3A_133 = arith.constant 0 : i32
    %dma_wait3A_134 = tpu.memref_slice %arg6[%dma_wait3A_131, %dma_wait3A_132, %dma_wait3A_133] : memref<2x128x128xf32, #tpu.memory_space<vmem>> -> memref<1x128x128xf32, #tpu.memory_space<vmem>>
    %dma_wait3A_135 = tpu.memref_squeeze %dma_wait3A_134 : memref<1x128x128xf32, #tpu.memory_space<vmem>> -> memref<128x128xf32, #tpu.memory_space<vmem>>
    %dma_wait3A_136 = arith.constant 0 : i32
    %dma_wait3A_137 = tpu.memref_slice %arg4[%add3A_65, %dma_wait3A_136] : memref<16384x128xf32, #tpu.memory_space<hbm>> -> memref<128x128xf32, #tpu.memory_space<hbm>>
    %dma_wait3A_138 = arith.constant 0 : i32
    %dma_wait3A_139 = tpu.memref_slice %arg4[%add3A_65, %dma_wait3A_138] : memref<16384x128xf32, #tpu.memory_space<hbm>> -> memref<128x128xf32, #tpu.memory_space<hbm>>
    %dma_wait3A_140 = arith.constant 0 : i32
    %dma_wait3A_141 = arith.constant 0 : i32
    %dma_wait3A_142 = tpu.memref_slice %arg6[%dma_wait3A_131, %dma_wait3A_140, %dma_wait3A_141] : memref<2x128x128xf32, #tpu.memory_space<vmem>> -> memref<1x128x128xf32, #tpu.memory_space<vmem>>
    %dma_wait3A_143 = tpu.memref_squeeze %dma_wait3A_142 : memref<1x128x128xf32, #tpu.memory_space<vmem>> -> memref<128x128xf32, #tpu.memory_space<vmem>>
    tpu.wait_dma2 semaphore(%arg8 : memref<!tpu.dma_semaphore, #tpu.memory_space<semaphore_mem>>) src(%dma_wait3A_143 : memref<128x128xf32, #tpu.memory_space<vmem>>) dst(%dma_wait3A_139 : memref<128x128xf32, #tpu.memory_space<hbm>>)
    %dma_start3A_144 = arith.constant 3 : i32
    %dma_start3A_145 = arith.constant 1 : i32
    %dma_start3A_146 = arith.constant 0 : i32
    %dma_start3A_147 = arith.constant 0 : i32
    %dma_start3A_148 = tpu.memref_slice %arg6[%dma_start3A_145, %dma_start3A_146, %dma_start3A_147] : memref<2x128x128xf32, #tpu.memory_space<vmem>> -> memref<1x128x128xf32, #tpu.memory_space<vmem>>
    %dma_start3A_149 = tpu.memref_squeeze %dma_start3A_148 : memref<1x128x128xf32, #tpu.memory_space<vmem>> -> memref<128x128xf32, #tpu.memory_space<vmem>>
    %dma_start3A_150 = arith.constant 0 : i32
    %dma_start3A_151 = tpu.memref_slice %arg5[%dma_start3A_144, %dma_start3A_150] : memref<4x128xi32, #tpu.memory_space<vmem>> -> memref<1x128xi32, #tpu.memory_space<vmem>>
    %dma_start3A_152 = tpu.memref_squeeze %dma_start3A_151 : memref<1x128xi32, #tpu.memory_space<vmem>> -> memref<128xi32, #tpu.memory_space<vmem>>
    %dma_start3A_153 = arith.constant 0 : i32
    %dma_start3A_154 = arith.constant 0 : i32
    %dma_start3A_155 = tpu.memref_slice %arg3[%dma_start3A_153, %dma_start3A_154] : memref<507904x128xf32, #tpu.memory_space<hbm>> -> memref<507904x128xf32, #tpu.memory_space<hbm>>
    tpu.enqueue_indirect_dma source(%dma_start3A_155 : memref<507904x128xf32, #tpu.memory_space<hbm>>) target(%dma_start3A_149 : memref<128x128xf32, #tpu.memory_space<vmem>>) offsets(%dma_start3A_152 : memref<128xi32, #tpu.memory_space<vmem>>) semaphore(%arg7 : memref<!tpu.dma_semaphore, #tpu.memory_space<semaphore_mem>>)
    %dma_wait3A_156 = arith.constant 3 : i32
    %dma_wait3A_157 = arith.constant 1 : i32
    %dma_wait3A_158 = arith.constant 0 : i32
    %dma_wait3A_159 = arith.constant 0 : i32
    %dma_wait3A_160 = tpu.memref_slice %arg6[%dma_wait3A_157, %dma_wait3A_158, %dma_wait3A_159] : memref<2x128x128xf32, #tpu.memory_space<vmem>> -> memref<1x128x128xf32, #tpu.memory_space<vmem>>
    %dma_wait3A_161 = tpu.memref_squeeze %dma_wait3A_160 : memref<1x128x128xf32, #tpu.memory_space<vmem>> -> memref<128x128xf32, #tpu.memory_space<vmem>>
    %dma_wait3A_162 = arith.constant 0 : i32
    %dma_wait3A_163 = tpu.memref_slice %arg5[%dma_wait3A_156, %dma_wait3A_162] : memref<4x128xi32, #tpu.memory_space<vmem>> -> memref<1x128xi32, #tpu.memory_space<vmem>>
    %dma_wait3A_164 = tpu.memref_squeeze %dma_wait3A_163 : memref<1x128xi32, #tpu.memory_space<vmem>> -> memref<128xi32, #tpu.memory_space<vmem>>
    %dma_wait3A_165 = arith.constant 0 : i32
    %dma_wait3A_166 = arith.constant 0 : i32
    %dma_wait3A_167 = tpu.memref_slice %arg3[%dma_wait3A_165, %dma_wait3A_166] : memref<507904x128xf32, #tpu.memory_space<hbm>> -> memref<507904x128xf32, #tpu.memory_space<hbm>>
    tpu.wait_indirect_dma semaphore(%arg7 : memref<!tpu.dma_semaphore, #tpu.memory_space<semaphore_mem>>) src(%dma_wait3A_167 : memref<507904x128xf32, #tpu.memory_space<hbm>>) dst(%dma_wait3A_161 : memref<128x128xf32, #tpu.memory_space<vmem>>)
    %add3A_168 = arith.constant 384 : i32
    %add3A_169 = arith.addi %mul3A_2, %add3A_168 : i32
    %dma_start3A_170 = arith.constant 1 : i32
    %dma_start3A_171 = arith.constant 0 : i32
    %dma_start3A_172 = arith.constant 0 : i32
    %dma_start3A_173 = tpu.memref_slice %arg6[%dma_start3A_170, %dma_start3A_171, %dma_start3A_172] : memref<2x128x128xf32, #tpu.memory_space<vmem>> -> memref<1x128x128xf32, #tpu.memory_space<vmem>>
    %dma_start3A_174 = tpu.memref_squeeze %dma_start3A_173 : memref<1x128x128xf32, #tpu.memory_space<vmem>> -> memref<128x128xf32, #tpu.memory_space<vmem>>
    %dma_start3A_175 = arith.constant 0 : i32
    %dma_start3A_176 = tpu.memref_slice %arg4[%add3A_169, %dma_start3A_175] : memref<16384x128xf32, #tpu.memory_space<hbm>> -> memref<128x128xf32, #tpu.memory_space<hbm>>
    %dma_start3A_177 = arith.constant 0 : i32
    %dma_start3A_178 = tpu.memref_slice %arg4[%add3A_169, %dma_start3A_177] : memref<16384x128xf32, #tpu.memory_space<hbm>> -> memref<128x128xf32, #tpu.memory_space<hbm>>
    %dma_start3A_179 = arith.constant 0 : i32
    %dma_start3A_180 = arith.constant 0 : i32
    %dma_start3A_181 = tpu.memref_slice %arg6[%dma_start3A_170, %dma_start3A_179, %dma_start3A_180] : memref<2x128x128xf32, #tpu.memory_space<vmem>> -> memref<1x128x128xf32, #tpu.memory_space<vmem>>
    %dma_start3A_182 = tpu.memref_squeeze %dma_start3A_181 : memref<1x128x128xf32, #tpu.memory_space<vmem>> -> memref<128x128xf32, #tpu.memory_space<vmem>>
    tpu.enqueue_dma source(%dma_start3A_182 : memref<128x128xf32, #tpu.memory_space<vmem>>) target(%dma_start3A_178 : memref<128x128xf32, #tpu.memory_space<hbm>>) target_semaphore(%arg8 : memref<!tpu.dma_semaphore, #tpu.memory_space<semaphore_mem>>)
    %dma_wait3A_183 = arith.constant 0 : i32
    %dma_wait3A_184 = arith.constant 0 : i32
    %dma_wait3A_185 = arith.constant 0 : i32
    %dma_wait3A_186 = tpu.memref_slice %arg6[%dma_wait3A_183, %dma_wait3A_184, %dma_wait3A_185] : memref<2x128x128xf32, #tpu.memory_space<vmem>> -> memref<1x128x128xf32, #tpu.memory_space<vmem>>
    %dma_wait3A_187 = tpu.memref_squeeze %dma_wait3A_186 : memref<1x128x128xf32, #tpu.memory_space<vmem>> -> memref<128x128xf32, #tpu.memory_space<vmem>>
    %dma_wait3A_188 = arith.constant 0 : i32
    %dma_wait3A_189 = tpu.memref_slice %arg4[%add3A_117, %dma_wait3A_188] : memref<16384x128xf32, #tpu.memory_space<hbm>> -> memref<128x128xf32, #tpu.memory_space<hbm>>
    %dma_wait3A_190 = arith.constant 0 : i32
    %dma_wait3A_191 = tpu.memref_slice %arg4[%add3A_117, %dma_wait3A_190] : memref<16384x128xf32, #tpu.memory_space<hbm>> -> memref<128x128xf32, #tpu.memory_space<hbm>>
    %dma_wait3A_192 = arith.constant 0 : i32
    %dma_wait3A_193 = arith.constant 0 : i32
    %dma_wait3A_194 = tpu.memref_slice %arg6[%dma_wait3A_183, %dma_wait3A_192, %dma_wait3A_193] : memref<2x128x128xf32, #tpu.memory_space<vmem>> -> memref<1x128x128xf32, #tpu.memory_space<vmem>>
    %dma_wait3A_195 = tpu.memref_squeeze %dma_wait3A_194 : memref<1x128x128xf32, #tpu.memory_space<vmem>> -> memref<128x128xf32, #tpu.memory_space<vmem>>
    tpu.wait_dma2 semaphore(%arg8 : memref<!tpu.dma_semaphore, #tpu.memory_space<semaphore_mem>>) src(%dma_wait3A_195 : memref<128x128xf32, #tpu.memory_space<vmem>>) dst(%dma_wait3A_191 : memref<128x128xf32, #tpu.memory_space<hbm>>)
    %dma_wait3A_196 = arith.constant 1 : i32
    %dma_wait3A_197 = arith.constant 0 : i32
    %dma_wait3A_198 = arith.constant 0 : i32
    %dma_wait3A_199 = tpu.memref_slice %arg6[%dma_wait3A_196, %dma_wait3A_197, %dma_wait3A_198] : memref<2x128x128xf32, #tpu.memory_space<vmem>> -> memref<1x128x128xf32, #tpu.memory_space<vmem>>
    %dma_wait3A_200 = tpu.memref_squeeze %dma_wait3A_199 : memref<1x128x128xf32, #tpu.memory_space<vmem>> -> memref<128x128xf32, #tpu.memory_space<vmem>>
    %dma_wait3A_201 = arith.constant 0 : i32
    %dma_wait3A_202 = tpu.memref_slice %arg4[%add3A_169, %dma_wait3A_201] : memref<16384x128xf32, #tpu.memory_space<hbm>> -> memref<128x128xf32, #tpu.memory_space<hbm>>
    %dma_wait3A_203 = arith.constant 0 : i32
    %dma_wait3A_204 = tpu.memref_slice %arg4[%add3A_169, %dma_wait3A_203] : memref<16384x128xf32, #tpu.memory_space<hbm>> -> memref<128x128xf32, #tpu.memory_space<hbm>>
    %dma_wait3A_205 = arith.constant 0 : i32
    %dma_wait3A_206 = arith.constant 0 : i32
    %dma_wait3A_207 = tpu.memref_slice %arg6[%dma_wait3A_196, %dma_wait3A_205, %dma_wait3A_206] : memref<2x128x128xf32, #tpu.memory_space<vmem>> -> memref<1x128x128xf32, #tpu.memory_space<vmem>>
    %dma_wait3A_208 = tpu.memref_squeeze %dma_wait3A_207 : memref<1x128x128xf32, #tpu.memory_space<vmem>> -> memref<128x128xf32, #tpu.memory_space<vmem>>
    tpu.wait_dma2 semaphore(%arg8 : memref<!tpu.dma_semaphore, #tpu.memory_space<semaphore_mem>>) src(%dma_wait3A_208 : memref<128x128xf32, #tpu.memory_space<vmem>>) dst(%dma_wait3A_204 : memref<128x128xf32, #tpu.memory_space<hbm>>)
    return
  }
}

#map = affine_map<(d0, d1) -> (0, 0, 0)>
#map1 = affine_map<(d0, d1) -> (0, 0)>
module attributes {stable_mosaic.version = 14 : i64} {
  func.func @gather_k(%arg0: i32, %arg1: i32, %arg2: memref<32x4x128xi32, #tpu.memory_space<hbm>>, %arg3: memref<32x4x128xi32, #tpu.memory_space<hbm>>, %arg4: memref<65536x128xf32, #tpu.memory_space<hbm>>, %arg5: memref<500x128xf32, #tpu.memory_space<hbm>>, %arg6: memref<16384x128xf32, #tpu.memory_space<hbm>>, %arg7: memref<16384x128xf32, #tpu.memory_space<hbm>>, %arg8: memref<4x128xi32, #tpu.memory_space<vmem>>, %arg9: memref<4x128xi32, #tpu.memory_space<vmem>>, %arg10: memref<2x128x128xf32, #tpu.memory_space<vmem>>, %arg11: memref<2x128x128xf32, #tpu.memory_space<vmem>>, %arg12: memref<!tpu.dma_semaphore, #tpu.memory_space<semaphore_mem>>, %arg13: memref<!tpu.dma_semaphore, #tpu.memory_space<semaphore_mem>>) attributes {dimension_semantics = [#tpu.dimension_semantics<core_parallel>, #tpu.dimension_semantics<subcore_parallel>], iteration_bounds = array<i64: 2, 16>, scalar_prefetch = 0 : i64, scratch_operands = 6 : i64, tpu.core_type = #tpu.core_type<sc_vector_subcore>, window_params = [{transform_indices = #map}, {transform_indices = #map}, {transform_indices = #map1}, {transform_indices = #map1}, {transform_indices = #map1}, {transform_indices = #map1}]} {
    %mul3A = arith.constant 2 : i32
    %mul3A_0 = arith.muli %arg1, %mul3A : i32
    %add3A = arith.addi %mul3A_0, %arg0 : i32
    %mul3A_1 = arith.constant 512 : i32
    %mul3A_2 = arith.muli %add3A, %mul3A_1 : i32
    "tpu.region"() ({
      %run_scoped3A = tpu.sem_alloc : memref<!tpu.dma_semaphore, #tpu.memory_space<semaphore_mem>>
      %dma_start3A_409 = arith.constant 0 : i32
      %dma_start3A_410 = arith.constant 0 : i32
      %dma_start3A_411 = tpu.memref_slice %arg2[%add3A, %dma_start3A_409, %dma_start3A_410] : memref<32x4x128xi32, #tpu.memory_space<hbm>> -> memref<1x4x128xi32, #tpu.memory_space<hbm>>
      %dma_start3A_412 = tpu.memref_squeeze %dma_start3A_411 : memref<1x4x128xi32, #tpu.memory_space<hbm>> -> memref<4x128xi32, #tpu.memory_space<hbm>>
      %dma_start3A_413 = arith.constant 0 : i32
      %dma_start3A_414 = arith.constant 0 : i32
      %dma_start3A_415 = tpu.memref_slice %arg2[%add3A, %dma_start3A_413, %dma_start3A_414] : memref<32x4x128xi32, #tpu.memory_space<hbm>> -> memref<1x4x128xi32, #tpu.memory_space<hbm>>
      %dma_start3A_416 = tpu.memref_squeeze %dma_start3A_415 : memref<1x4x128xi32, #tpu.memory_space<hbm>> -> memref<4x128xi32, #tpu.memory_space<hbm>>
      tpu.enqueue_dma source(%dma_start3A_416 : memref<4x128xi32, #tpu.memory_space<hbm>>) target(%arg8 : memref<4x128xi32, #tpu.memory_space<vmem>>) target_semaphore(%run_scoped3A : memref<!tpu.dma_semaphore, #tpu.memory_space<semaphore_mem>>)
      %dma_wait3A_417 = arith.constant 0 : i32
      %dma_wait3A_418 = arith.constant 0 : i32
      %dma_wait3A_419 = tpu.memref_slice %arg2[%add3A, %dma_wait3A_417, %dma_wait3A_418] : memref<32x4x128xi32, #tpu.memory_space<hbm>> -> memref<1x4x128xi32, #tpu.memory_space<hbm>>
      %dma_wait3A_420 = tpu.memref_squeeze %dma_wait3A_419 : memref<1x4x128xi32, #tpu.memory_space<hbm>> -> memref<4x128xi32, #tpu.memory_space<hbm>>
      %dma_wait3A_421 = arith.constant 0 : i32
      %dma_wait3A_422 = arith.constant 0 : i32
      %dma_wait3A_423 = tpu.memref_slice %arg2[%add3A, %dma_wait3A_421, %dma_wait3A_422] : memref<32x4x128xi32, #tpu.memory_space<hbm>> -> memref<1x4x128xi32, #tpu.memory_space<hbm>>
      %dma_wait3A_424 = tpu.memref_squeeze %dma_wait3A_423 : memref<1x4x128xi32, #tpu.memory_space<hbm>> -> memref<4x128xi32, #tpu.memory_space<hbm>>
      tpu.wait_dma2 semaphore(%run_scoped3A : memref<!tpu.dma_semaphore, #tpu.memory_space<semaphore_mem>>) src(%dma_wait3A_424 : memref<4x128xi32, #tpu.memory_space<hbm>>) dst(%arg8 : memref<4x128xi32, #tpu.memory_space<vmem>>)
      tpu.yield
    }) : () -> ()
    "tpu.region"() ({
      %run_scoped3A = tpu.sem_alloc : memref<!tpu.dma_semaphore, #tpu.memory_space<semaphore_mem>>
      %dma_start3A_409 = arith.constant 0 : i32
      %dma_start3A_410 = arith.constant 0 : i32
      %dma_start3A_411 = tpu.memref_slice %arg3[%add3A, %dma_start3A_409, %dma_start3A_410] : memref<32x4x128xi32, #tpu.memory_space<hbm>> -> memref<1x4x128xi32, #tpu.memory_space<hbm>>
      %dma_start3A_412 = tpu.memref_squeeze %dma_start3A_411 : memref<1x4x128xi32, #tpu.memory_space<hbm>> -> memref<4x128xi32, #tpu.memory_space<hbm>>
      %dma_start3A_413 = arith.constant 0 : i32
      %dma_start3A_414 = arith.constant 0 : i32
      %dma_start3A_415 = tpu.memref_slice %arg3[%add3A, %dma_start3A_413, %dma_start3A_414] : memref<32x4x128xi32, #tpu.memory_space<hbm>> -> memref<1x4x128xi32, #tpu.memory_space<hbm>>
      %dma_start3A_416 = tpu.memref_squeeze %dma_start3A_415 : memref<1x4x128xi32, #tpu.memory_space<hbm>> -> memref<4x128xi32, #tpu.memory_space<hbm>>
      tpu.enqueue_dma source(%dma_start3A_416 : memref<4x128xi32, #tpu.memory_space<hbm>>) target(%arg9 : memref<4x128xi32, #tpu.memory_space<vmem>>) target_semaphore(%run_scoped3A : memref<!tpu.dma_semaphore, #tpu.memory_space<semaphore_mem>>)
      %dma_wait3A_417 = arith.constant 0 : i32
      %dma_wait3A_418 = arith.constant 0 : i32
      %dma_wait3A_419 = tpu.memref_slice %arg3[%add3A, %dma_wait3A_417, %dma_wait3A_418] : memref<32x4x128xi32, #tpu.memory_space<hbm>> -> memref<1x4x128xi32, #tpu.memory_space<hbm>>
      %dma_wait3A_420 = tpu.memref_squeeze %dma_wait3A_419 : memref<1x4x128xi32, #tpu.memory_space<hbm>> -> memref<4x128xi32, #tpu.memory_space<hbm>>
      %dma_wait3A_421 = arith.constant 0 : i32
      %dma_wait3A_422 = arith.constant 0 : i32
      %dma_wait3A_423 = tpu.memref_slice %arg3[%add3A, %dma_wait3A_421, %dma_wait3A_422] : memref<32x4x128xi32, #tpu.memory_space<hbm>> -> memref<1x4x128xi32, #tpu.memory_space<hbm>>
      %dma_wait3A_424 = tpu.memref_squeeze %dma_wait3A_423 : memref<1x4x128xi32, #tpu.memory_space<hbm>> -> memref<4x128xi32, #tpu.memory_space<hbm>>
      tpu.wait_dma2 semaphore(%run_scoped3A : memref<!tpu.dma_semaphore, #tpu.memory_space<semaphore_mem>>) src(%dma_wait3A_424 : memref<4x128xi32, #tpu.memory_space<hbm>>) dst(%arg9 : memref<4x128xi32, #tpu.memory_space<vmem>>)
      tpu.yield
    }) : () -> ()
    %dma_start3A = arith.constant 0 : i32
    %dma_start3A_3 = arith.constant 0 : i32
    %dma_start3A_4 = arith.constant 0 : i32
    %dma_start3A_5 = arith.constant 0 : i32
    %dma_start3A_6 = tpu.memref_slice %arg10[%dma_start3A_3, %dma_start3A_4, %dma_start3A_5] : memref<2x128x128xf32, #tpu.memory_space<vmem>> -> memref<1x128x128xf32, #tpu.memory_space<vmem>>
    %dma_start3A_7 = tpu.memref_squeeze %dma_start3A_6 : memref<1x128x128xf32, #tpu.memory_space<vmem>> -> memref<128x128xf32, #tpu.memory_space<vmem>>
    %dma_start3A_8 = arith.constant 0 : i32
    %dma_start3A_9 = tpu.memref_slice %arg8[%dma_start3A, %dma_start3A_8] : memref<4x128xi32, #tpu.memory_space<vmem>> -> memref<1x128xi32, #tpu.memory_space<vmem>>
    %dma_start3A_10 = tpu.memref_squeeze %dma_start3A_9 : memref<1x128xi32, #tpu.memory_space<vmem>> -> memref<128xi32, #tpu.memory_space<vmem>>
    %dma_start3A_11 = arith.constant 0 : i32
    %dma_start3A_12 = arith.constant 0 : i32
    %dma_start3A_13 = tpu.memref_slice %arg4[%dma_start3A_11, %dma_start3A_12] : memref<65536x128xf32, #tpu.memory_space<hbm>> -> memref<65536x128xf32, #tpu.memory_space<hbm>>
    tpu.enqueue_indirect_dma source(%dma_start3A_13 : memref<65536x128xf32, #tpu.memory_space<hbm>>) target(%dma_start3A_7 : memref<128x128xf32, #tpu.memory_space<vmem>>) offsets(%dma_start3A_10 : memref<128xi32, #tpu.memory_space<vmem>>) semaphore(%arg12 : memref<!tpu.dma_semaphore, #tpu.memory_space<semaphore_mem>>)
    %dma_start3A_14 = arith.constant 0 : i32
    %dma_start3A_15 = arith.constant 0 : i32
    %dma_start3A_16 = arith.constant 0 : i32
    %dma_start3A_17 = arith.constant 0 : i32
    %dma_start3A_18 = tpu.memref_slice %arg11[%dma_start3A_15, %dma_start3A_16, %dma_start3A_17] : memref<2x128x128xf32, #tpu.memory_space<vmem>> -> memref<1x128x128xf32, #tpu.memory_space<vmem>>
    %dma_start3A_19 = tpu.memref_squeeze %dma_start3A_18 : memref<1x128x128xf32, #tpu.memory_space<vmem>> -> memref<128x128xf32, #tpu.memory_space<vmem>>
    %dma_start3A_20 = arith.constant 0 : i32
    %dma_start3A_21 = tpu.memref_slice %arg9[%dma_start3A_14, %dma_start3A_20] : memref<4x128xi32, #tpu.memory_space<vmem>> -> memref<1x128xi32, #tpu.memory_space<vmem>>
    %dma_start3A_22 = tpu.memref_squeeze %dma_start3A_21 : memref<1x128xi32, #tpu.memory_space<vmem>> -> memref<128xi32, #tpu.memory_space<vmem>>
    %dma_start3A_23 = arith.constant 0 : i32
    %dma_start3A_24 = arith.constant 0 : i32
    %dma_start3A_25 = tpu.memref_slice %arg5[%dma_start3A_23, %dma_start3A_24] : memref<500x128xf32, #tpu.memory_space<hbm>> -> memref<500x128xf32, #tpu.memory_space<hbm>>
    tpu.enqueue_indirect_dma source(%dma_start3A_25 : memref<500x128xf32, #tpu.memory_space<hbm>>) target(%dma_start3A_19 : memref<128x128xf32, #tpu.memory_space<vmem>>) offsets(%dma_start3A_22 : memref<128xi32, #tpu.memory_space<vmem>>) semaphore(%arg12 : memref<!tpu.dma_semaphore, #tpu.memory_space<semaphore_mem>>)
    %dma_wait3A = arith.constant 0 : i32
    %dma_wait3A_26 = arith.constant 0 : i32
    %dma_wait3A_27 = arith.constant 0 : i32
    %dma_wait3A_28 = arith.constant 0 : i32
    %dma_wait3A_29 = tpu.memref_slice %arg10[%dma_wait3A_26, %dma_wait3A_27, %dma_wait3A_28] : memref<2x128x128xf32, #tpu.memory_space<vmem>> -> memref<1x128x128xf32, #tpu.memory_space<vmem>>
    %dma_wait3A_30 = tpu.memref_squeeze %dma_wait3A_29 : memref<1x128x128xf32, #tpu.memory_space<vmem>> -> memref<128x128xf32, #tpu.memory_space<vmem>>
    %dma_wait3A_31 = arith.constant 0 : i32
    %dma_wait3A_32 = tpu.memref_slice %arg8[%dma_wait3A, %dma_wait3A_31] : memref<4x128xi32, #tpu.memory_space<vmem>> -> memref<1x128xi32, #tpu.memory_space<vmem>>
    %dma_wait3A_33 = tpu.memref_squeeze %dma_wait3A_32 : memref<1x128xi32, #tpu.memory_space<vmem>> -> memref<128xi32, #tpu.memory_space<vmem>>
    %dma_wait3A_34 = arith.constant 0 : i32
    %dma_wait3A_35 = arith.constant 0 : i32
    %dma_wait3A_36 = tpu.memref_slice %arg4[%dma_wait3A_34, %dma_wait3A_35] : memref<65536x128xf32, #tpu.memory_space<hbm>> -> memref<65536x128xf32, #tpu.memory_space<hbm>>
    tpu.wait_indirect_dma semaphore(%arg12 : memref<!tpu.dma_semaphore, #tpu.memory_space<semaphore_mem>>) src(%dma_wait3A_36 : memref<65536x128xf32, #tpu.memory_space<hbm>>) dst(%dma_wait3A_30 : memref<128x128xf32, #tpu.memory_space<vmem>>)
    %dma_wait3A_37 = arith.constant 0 : i32
    %dma_wait3A_38 = arith.constant 0 : i32
    %dma_wait3A_39 = arith.constant 0 : i32
    %dma_wait3A_40 = arith.constant 0 : i32
    %dma_wait3A_41 = tpu.memref_slice %arg11[%dma_wait3A_38, %dma_wait3A_39, %dma_wait3A_40] : memref<2x128x128xf32, #tpu.memory_space<vmem>> -> memref<1x128x128xf32, #tpu.memory_space<vmem>>
    %dma_wait3A_42 = tpu.memref_squeeze %dma_wait3A_41 : memref<1x128x128xf32, #tpu.memory_space<vmem>> -> memref<128x128xf32, #tpu.memory_space<vmem>>
    %dma_wait3A_43 = arith.constant 0 : i32
    %dma_wait3A_44 = tpu.memref_slice %arg9[%dma_wait3A_37, %dma_wait3A_43] : memref<4x128xi32, #tpu.memory_space<vmem>> -> memref<1x128xi32, #tpu.memory_space<vmem>>
    %dma_wait3A_45 = tpu.memref_squeeze %dma_wait3A_44 : memref<1x128xi32, #tpu.memory_space<vmem>> -> memref<128xi32, #tpu.memory_space<vmem>>
    %dma_wait3A_46 = arith.constant 0 : i32
    %dma_wait3A_47 = arith.constant 0 : i32
    %dma_wait3A_48 = tpu.memref_slice %arg5[%dma_wait3A_46, %dma_wait3A_47] : memref<500x128xf32, #tpu.memory_space<hbm>> -> memref<500x128xf32, #tpu.memory_space<hbm>>
    tpu.wait_indirect_dma semaphore(%arg12 : memref<!tpu.dma_semaphore, #tpu.memory_space<semaphore_mem>>) src(%dma_wait3A_48 : memref<500x128xf32, #tpu.memory_space<hbm>>) dst(%dma_wait3A_42 : memref<128x128xf32, #tpu.memory_space<vmem>>)
    %add3A_49 = arith.constant 0 : i32
    %add3A_50 = arith.addi %mul3A_2, %add3A_49 : i32
    %dma_start3A_51 = arith.constant 0 : i32
    %dma_start3A_52 = arith.constant 0 : i32
    %dma_start3A_53 = arith.constant 0 : i32
    %dma_start3A_54 = tpu.memref_slice %arg10[%dma_start3A_51, %dma_start3A_52, %dma_start3A_53] : memref<2x128x128xf32, #tpu.memory_space<vmem>> -> memref<1x128x128xf32, #tpu.memory_space<vmem>>
    %dma_start3A_55 = tpu.memref_squeeze %dma_start3A_54 : memref<1x128x128xf32, #tpu.memory_space<vmem>> -> memref<128x128xf32, #tpu.memory_space<vmem>>
    %dma_start3A_56 = arith.constant 0 : i32
    %dma_start3A_57 = tpu.memref_slice %arg6[%add3A_50, %dma_start3A_56] : memref<16384x128xf32, #tpu.memory_space<hbm>> -> memref<128x128xf32, #tpu.memory_space<hbm>>
    %dma_start3A_58 = arith.constant 0 : i32
    %dma_start3A_59 = tpu.memref_slice %arg6[%add3A_50, %dma_start3A_58] : memref<16384x128xf32, #tpu.memory_space<hbm>> -> memref<128x128xf32, #tpu.memory_space<hbm>>
    %dma_start3A_60 = arith.constant 0 : i32
    %dma_start3A_61 = arith.constant 0 : i32
    %dma_start3A_62 = tpu.memref_slice %arg10[%dma_start3A_51, %dma_start3A_60, %dma_start3A_61] : memref<2x128x128xf32, #tpu.memory_space<vmem>> -> memref<1x128x128xf32, #tpu.memory_space<vmem>>
    %dma_start3A_63 = tpu.memref_squeeze %dma_start3A_62 : memref<1x128x128xf32, #tpu.memory_space<vmem>> -> memref<128x128xf32, #tpu.memory_space<vmem>>
    tpu.enqueue_dma source(%dma_start3A_63 : memref<128x128xf32, #tpu.memory_space<vmem>>) target(%dma_start3A_59 : memref<128x128xf32, #tpu.memory_space<hbm>>) target_semaphore(%arg13 : memref<!tpu.dma_semaphore, #tpu.memory_space<semaphore_mem>>)
    %dma_start3A_64 = arith.constant 0 : i32
    %dma_start3A_65 = arith.constant 0 : i32
    %dma_start3A_66 = arith.constant 0 : i32
    %dma_start3A_67 = tpu.memref_slice %arg11[%dma_start3A_64, %dma_start3A_65, %dma_start3A_66] : memref<2x128x128xf32, #tpu.memory_space<vmem>> -> memref<1x128x128xf32, #tpu.memory_space<vmem>>
    %dma_start3A_68 = tpu.memref_squeeze %dma_start3A_67 : memref<1x128x128xf32, #tpu.memory_space<vmem>> -> memref<128x128xf32, #tpu.memory_space<vmem>>
    %dma_start3A_69 = arith.constant 0 : i32
    %dma_start3A_70 = tpu.memref_slice %arg7[%add3A_50, %dma_start3A_69] : memref<16384x128xf32, #tpu.memory_space<hbm>> -> memref<128x128xf32, #tpu.memory_space<hbm>>
    %dma_start3A_71 = arith.constant 0 : i32
    %dma_start3A_72 = tpu.memref_slice %arg7[%add3A_50, %dma_start3A_71] : memref<16384x128xf32, #tpu.memory_space<hbm>> -> memref<128x128xf32, #tpu.memory_space<hbm>>
    %dma_start3A_73 = arith.constant 0 : i32
    %dma_start3A_74 = arith.constant 0 : i32
    %dma_start3A_75 = tpu.memref_slice %arg11[%dma_start3A_64, %dma_start3A_73, %dma_start3A_74] : memref<2x128x128xf32, #tpu.memory_space<vmem>> -> memref<1x128x128xf32, #tpu.memory_space<vmem>>
    %dma_start3A_76 = tpu.memref_squeeze %dma_start3A_75 : memref<1x128x128xf32, #tpu.memory_space<vmem>> -> memref<128x128xf32, #tpu.memory_space<vmem>>
    tpu.enqueue_dma source(%dma_start3A_76 : memref<128x128xf32, #tpu.memory_space<vmem>>) target(%dma_start3A_72 : memref<128x128xf32, #tpu.memory_space<hbm>>) target_semaphore(%arg13 : memref<!tpu.dma_semaphore, #tpu.memory_space<semaphore_mem>>)
    %dma_start3A_77 = arith.constant 1 : i32
    %dma_start3A_78 = arith.constant 1 : i32
    %dma_start3A_79 = arith.constant 0 : i32
    %dma_start3A_80 = arith.constant 0 : i32
    %dma_start3A_81 = tpu.memref_slice %arg10[%dma_start3A_78, %dma_start3A_79, %dma_start3A_80] : memref<2x128x128xf32, #tpu.memory_space<vmem>> -> memref<1x128x128xf32, #tpu.memory_space<vmem>>
    %dma_start3A_82 = tpu.memref_squeeze %dma_start3A_81 : memref<1x128x128xf32, #tpu.memory_space<vmem>> -> memref<128x128xf32, #tpu.memory_space<vmem>>
    %dma_start3A_83 = arith.constant 0 : i32
    %dma_start3A_84 = tpu.memref_slice %arg8[%dma_start3A_77, %dma_start3A_83] : memref<4x128xi32, #tpu.memory_space<vmem>> -> memref<1x128xi32, #tpu.memory_space<vmem>>
    %dma_start3A_85 = tpu.memref_squeeze %dma_start3A_84 : memref<1x128xi32, #tpu.memory_space<vmem>> -> memref<128xi32, #tpu.memory_space<vmem>>
    %dma_start3A_86 = arith.constant 0 : i32
    %dma_start3A_87 = arith.constant 0 : i32
    %dma_start3A_88 = tpu.memref_slice %arg4[%dma_start3A_86, %dma_start3A_87] : memref<65536x128xf32, #tpu.memory_space<hbm>> -> memref<65536x128xf32, #tpu.memory_space<hbm>>
    tpu.enqueue_indirect_dma source(%dma_start3A_88 : memref<65536x128xf32, #tpu.memory_space<hbm>>) target(%dma_start3A_82 : memref<128x128xf32, #tpu.memory_space<vmem>>) offsets(%dma_start3A_85 : memref<128xi32, #tpu.memory_space<vmem>>) semaphore(%arg12 : memref<!tpu.dma_semaphore, #tpu.memory_space<semaphore_mem>>)
    %dma_start3A_89 = arith.constant 1 : i32
    %dma_start3A_90 = arith.constant 1 : i32
    %dma_start3A_91 = arith.constant 0 : i32
    %dma_start3A_92 = arith.constant 0 : i32
    %dma_start3A_93 = tpu.memref_slice %arg11[%dma_start3A_90, %dma_start3A_91, %dma_start3A_92] : memref<2x128x128xf32, #tpu.memory_space<vmem>> -> memref<1x128x128xf32, #tpu.memory_space<vmem>>
    %dma_start3A_94 = tpu.memref_squeeze %dma_start3A_93 : memref<1x128x128xf32, #tpu.memory_space<vmem>> -> memref<128x128xf32, #tpu.memory_space<vmem>>
    %dma_start3A_95 = arith.constant 0 : i32
    %dma_start3A_96 = tpu.memref_slice %arg9[%dma_start3A_89, %dma_start3A_95] : memref<4x128xi32, #tpu.memory_space<vmem>> -> memref<1x128xi32, #tpu.memory_space<vmem>>
    %dma_start3A_97 = tpu.memref_squeeze %dma_start3A_96 : memref<1x128xi32, #tpu.memory_space<vmem>> -> memref<128xi32, #tpu.memory_space<vmem>>
    %dma_start3A_98 = arith.constant 0 : i32
    %dma_start3A_99 = arith.constant 0 : i32
    %dma_start3A_100 = tpu.memref_slice %arg5[%dma_start3A_98, %dma_start3A_99] : memref<500x128xf32, #tpu.memory_space<hbm>> -> memref<500x128xf32, #tpu.memory_space<hbm>>
    tpu.enqueue_indirect_dma source(%dma_start3A_100 : memref<500x128xf32, #tpu.memory_space<hbm>>) target(%dma_start3A_94 : memref<128x128xf32, #tpu.memory_space<vmem>>) offsets(%dma_start3A_97 : memref<128xi32, #tpu.memory_space<vmem>>) semaphore(%arg12 : memref<!tpu.dma_semaphore, #tpu.memory_space<semaphore_mem>>)
    %dma_wait3A_101 = arith.constant 1 : i32
    %dma_wait3A_102 = arith.constant 1 : i32
    %dma_wait3A_103 = arith.constant 0 : i32
    %dma_wait3A_104 = arith.constant 0 : i32
    %dma_wait3A_105 = tpu.memref_slice %arg10[%dma_wait3A_102, %dma_wait3A_103, %dma_wait3A_104] : memref<2x128x128xf32, #tpu.memory_space<vmem>> -> memref<1x128x128xf32, #tpu.memory_space<vmem>>
    %dma_wait3A_106 = tpu.memref_squeeze %dma_wait3A_105 : memref<1x128x128xf32, #tpu.memory_space<vmem>> -> memref<128x128xf32, #tpu.memory_space<vmem>>
    %dma_wait3A_107 = arith.constant 0 : i32
    %dma_wait3A_108 = tpu.memref_slice %arg8[%dma_wait3A_101, %dma_wait3A_107] : memref<4x128xi32, #tpu.memory_space<vmem>> -> memref<1x128xi32, #tpu.memory_space<vmem>>
    %dma_wait3A_109 = tpu.memref_squeeze %dma_wait3A_108 : memref<1x128xi32, #tpu.memory_space<vmem>> -> memref<128xi32, #tpu.memory_space<vmem>>
    %dma_wait3A_110 = arith.constant 0 : i32
    %dma_wait3A_111 = arith.constant 0 : i32
    %dma_wait3A_112 = tpu.memref_slice %arg4[%dma_wait3A_110, %dma_wait3A_111] : memref<65536x128xf32, #tpu.memory_space<hbm>> -> memref<65536x128xf32, #tpu.memory_space<hbm>>
    tpu.wait_indirect_dma semaphore(%arg12 : memref<!tpu.dma_semaphore, #tpu.memory_space<semaphore_mem>>) src(%dma_wait3A_112 : memref<65536x128xf32, #tpu.memory_space<hbm>>) dst(%dma_wait3A_106 : memref<128x128xf32, #tpu.memory_space<vmem>>)
    %dma_wait3A_113 = arith.constant 1 : i32
    %dma_wait3A_114 = arith.constant 1 : i32
    %dma_wait3A_115 = arith.constant 0 : i32
    %dma_wait3A_116 = arith.constant 0 : i32
    %dma_wait3A_117 = tpu.memref_slice %arg11[%dma_wait3A_114, %dma_wait3A_115, %dma_wait3A_116] : memref<2x128x128xf32, #tpu.memory_space<vmem>> -> memref<1x128x128xf32, #tpu.memory_space<vmem>>
    %dma_wait3A_118 = tpu.memref_squeeze %dma_wait3A_117 : memref<1x128x128xf32, #tpu.memory_space<vmem>> -> memref<128x128xf32, #tpu.memory_space<vmem>>
    %dma_wait3A_119 = arith.constant 0 : i32
    %dma_wait3A_120 = tpu.memref_slice %arg9[%dma_wait3A_113, %dma_wait3A_119] : memref<4x128xi32, #tpu.memory_space<vmem>> -> memref<1x128xi32, #tpu.memory_space<vmem>>
    %dma_wait3A_121 = tpu.memref_squeeze %dma_wait3A_120 : memref<1x128xi32, #tpu.memory_space<vmem>> -> memref<128xi32, #tpu.memory_space<vmem>>
    %dma_wait3A_122 = arith.constant 0 : i32
    %dma_wait3A_123 = arith.constant 0 : i32
    %dma_wait3A_124 = tpu.memref_slice %arg5[%dma_wait3A_122, %dma_wait3A_123] : memref<500x128xf32, #tpu.memory_space<hbm>> -> memref<500x128xf32, #tpu.memory_space<hbm>>
    tpu.wait_indirect_dma semaphore(%arg12 : memref<!tpu.dma_semaphore, #tpu.memory_space<semaphore_mem>>) src(%dma_wait3A_124 : memref<500x128xf32, #tpu.memory_space<hbm>>) dst(%dma_wait3A_118 : memref<128x128xf32, #tpu.memory_space<vmem>>)
    %add3A_125 = arith.constant 128 : i32
    %add3A_126 = arith.addi %mul3A_2, %add3A_125 : i32
    %dma_start3A_127 = arith.constant 1 : i32
    %dma_start3A_128 = arith.constant 0 : i32
    %dma_start3A_129 = arith.constant 0 : i32
    %dma_start3A_130 = tpu.memref_slice %arg10[%dma_start3A_127, %dma_start3A_128, %dma_start3A_129] : memref<2x128x128xf32, #tpu.memory_space<vmem>> -> memref<1x128x128xf32, #tpu.memory_space<vmem>>
    %dma_start3A_131 = tpu.memref_squeeze %dma_start3A_130 : memref<1x128x128xf32, #tpu.memory_space<vmem>> -> memref<128x128xf32, #tpu.memory_space<vmem>>
    %dma_start3A_132 = arith.constant 0 : i32
    %dma_start3A_133 = tpu.memref_slice %arg6[%add3A_126, %dma_start3A_132] : memref<16384x128xf32, #tpu.memory_space<hbm>> -> memref<128x128xf32, #tpu.memory_space<hbm>>
    %dma_start3A_134 = arith.constant 0 : i32
    %dma_start3A_135 = tpu.memref_slice %arg6[%add3A_126, %dma_start3A_134] : memref<16384x128xf32, #tpu.memory_space<hbm>> -> memref<128x128xf32, #tpu.memory_space<hbm>>
    %dma_start3A_136 = arith.constant 0 : i32
    %dma_start3A_137 = arith.constant 0 : i32
    %dma_start3A_138 = tpu.memref_slice %arg10[%dma_start3A_127, %dma_start3A_136, %dma_start3A_137] : memref<2x128x128xf32, #tpu.memory_space<vmem>> -> memref<1x128x128xf32, #tpu.memory_space<vmem>>
    %dma_start3A_139 = tpu.memref_squeeze %dma_start3A_138 : memref<1x128x128xf32, #tpu.memory_space<vmem>> -> memref<128x128xf32, #tpu.memory_space<vmem>>
    tpu.enqueue_dma source(%dma_start3A_139 : memref<128x128xf32, #tpu.memory_space<vmem>>) target(%dma_start3A_135 : memref<128x128xf32, #tpu.memory_space<hbm>>) target_semaphore(%arg13 : memref<!tpu.dma_semaphore, #tpu.memory_space<semaphore_mem>>)
    %dma_start3A_140 = arith.constant 1 : i32
    %dma_start3A_141 = arith.constant 0 : i32
    %dma_start3A_142 = arith.constant 0 : i32
    %dma_start3A_143 = tpu.memref_slice %arg11[%dma_start3A_140, %dma_start3A_141, %dma_start3A_142] : memref<2x128x128xf32, #tpu.memory_space<vmem>> -> memref<1x128x128xf32, #tpu.memory_space<vmem>>
    %dma_start3A_144 = tpu.memref_squeeze %dma_start3A_143 : memref<1x128x128xf32, #tpu.memory_space<vmem>> -> memref<128x128xf32, #tpu.memory_space<vmem>>
    %dma_start3A_145 = arith.constant 0 : i32
    %dma_start3A_146 = tpu.memref_slice %arg7[%add3A_126, %dma_start3A_145] : memref<16384x128xf32, #tpu.memory_space<hbm>> -> memref<128x128xf32, #tpu.memory_space<hbm>>
    %dma_start3A_147 = arith.constant 0 : i32
    %dma_start3A_148 = tpu.memref_slice %arg7[%add3A_126, %dma_start3A_147] : memref<16384x128xf32, #tpu.memory_space<hbm>> -> memref<128x128xf32, #tpu.memory_space<hbm>>
    %dma_start3A_149 = arith.constant 0 : i32
    %dma_start3A_150 = arith.constant 0 : i32
    %dma_start3A_151 = tpu.memref_slice %arg11[%dma_start3A_140, %dma_start3A_149, %dma_start3A_150] : memref<2x128x128xf32, #tpu.memory_space<vmem>> -> memref<1x128x128xf32, #tpu.memory_space<vmem>>
    %dma_start3A_152 = tpu.memref_squeeze %dma_start3A_151 : memref<1x128x128xf32, #tpu.memory_space<vmem>> -> memref<128x128xf32, #tpu.memory_space<vmem>>
    tpu.enqueue_dma source(%dma_start3A_152 : memref<128x128xf32, #tpu.memory_space<vmem>>) target(%dma_start3A_148 : memref<128x128xf32, #tpu.memory_space<hbm>>) target_semaphore(%arg13 : memref<!tpu.dma_semaphore, #tpu.memory_space<semaphore_mem>>)
    %dma_wait3A_153 = arith.constant 0 : i32
    %dma_wait3A_154 = arith.constant 0 : i32
    %dma_wait3A_155 = arith.constant 0 : i32
    %dma_wait3A_156 = tpu.memref_slice %arg10[%dma_wait3A_153, %dma_wait3A_154, %dma_wait3A_155] : memref<2x128x128xf32, #tpu.memory_space<vmem>> -> memref<1x128x128xf32, #tpu.memory_space<vmem>>
    %dma_wait3A_157 = tpu.memref_squeeze %dma_wait3A_156 : memref<1x128x128xf32, #tpu.memory_space<vmem>> -> memref<128x128xf32, #tpu.memory_space<vmem>>
    %dma_wait3A_158 = arith.constant 0 : i32
    %dma_wait3A_159 = tpu.memref_slice %arg6[%add3A_50, %dma_wait3A_158] : memref<16384x128xf32, #tpu.memory_space<hbm>> -> memref<128x128xf32, #tpu.memory_space<hbm>>
    %dma_wait3A_160 = arith.constant 0 : i32
    %dma_wait3A_161 = tpu.memref_slice %arg6[%add3A_50, %dma_wait3A_160] : memref<16384x128xf32, #tpu.memory_space<hbm>> -> memref<128x128xf32, #tpu.memory_space<hbm>>
    %dma_wait3A_162 = arith.constant 0 : i32
    %dma_wait3A_163 = arith.constant 0 : i32
    %dma_wait3A_164 = tpu.memref_slice %arg10[%dma_wait3A_153, %dma_wait3A_162, %dma_wait3A_163] : memref<2x128x128xf32, #tpu.memory_space<vmem>> -> memref<1x128x128xf32, #tpu.memory_space<vmem>>
    %dma_wait3A_165 = tpu.memref_squeeze %dma_wait3A_164 : memref<1x128x128xf32, #tpu.memory_space<vmem>> -> memref<128x128xf32, #tpu.memory_space<vmem>>
    tpu.wait_dma2 semaphore(%arg13 : memref<!tpu.dma_semaphore, #tpu.memory_space<semaphore_mem>>) src(%dma_wait3A_165 : memref<128x128xf32, #tpu.memory_space<vmem>>) dst(%dma_wait3A_161 : memref<128x128xf32, #tpu.memory_space<hbm>>)
    %dma_wait3A_166 = arith.constant 0 : i32
    %dma_wait3A_167 = arith.constant 0 : i32
    %dma_wait3A_168 = arith.constant 0 : i32
    %dma_wait3A_169 = tpu.memref_slice %arg11[%dma_wait3A_166, %dma_wait3A_167, %dma_wait3A_168] : memref<2x128x128xf32, #tpu.memory_space<vmem>> -> memref<1x128x128xf32, #tpu.memory_space<vmem>>
    %dma_wait3A_170 = tpu.memref_squeeze %dma_wait3A_169 : memref<1x128x128xf32, #tpu.memory_space<vmem>> -> memref<128x128xf32, #tpu.memory_space<vmem>>
    %dma_wait3A_171 = arith.constant 0 : i32
    %dma_wait3A_172 = tpu.memref_slice %arg7[%add3A_50, %dma_wait3A_171] : memref<16384x128xf32, #tpu.memory_space<hbm>> -> memref<128x128xf32, #tpu.memory_space<hbm>>
    %dma_wait3A_173 = arith.constant 0 : i32
    %dma_wait3A_174 = tpu.memref_slice %arg7[%add3A_50, %dma_wait3A_173] : memref<16384x128xf32, #tpu.memory_space<hbm>> -> memref<128x128xf32, #tpu.memory_space<hbm>>
    %dma_wait3A_175 = arith.constant 0 : i32
    %dma_wait3A_176 = arith.constant 0 : i32
    %dma_wait3A_177 = tpu.memref_slice %arg11[%dma_wait3A_166, %dma_wait3A_175, %dma_wait3A_176] : memref<2x128x128xf32, #tpu.memory_space<vmem>> -> memref<1x128x128xf32, #tpu.memory_space<vmem>>
    %dma_wait3A_178 = tpu.memref_squeeze %dma_wait3A_177 : memref<1x128x128xf32, #tpu.memory_space<vmem>> -> memref<128x128xf32, #tpu.memory_space<vmem>>
    tpu.wait_dma2 semaphore(%arg13 : memref<!tpu.dma_semaphore, #tpu.memory_space<semaphore_mem>>) src(%dma_wait3A_178 : memref<128x128xf32, #tpu.memory_space<vmem>>) dst(%dma_wait3A_174 : memref<128x128xf32, #tpu.memory_space<hbm>>)
    %dma_start3A_179 = arith.constant 2 : i32
    %dma_start3A_180 = arith.constant 0 : i32
    %dma_start3A_181 = arith.constant 0 : i32
    %dma_start3A_182 = arith.constant 0 : i32
    %dma_start3A_183 = tpu.memref_slice %arg10[%dma_start3A_180, %dma_start3A_181, %dma_start3A_182] : memref<2x128x128xf32, #tpu.memory_space<vmem>> -> memref<1x128x128xf32, #tpu.memory_space<vmem>>
    %dma_start3A_184 = tpu.memref_squeeze %dma_start3A_183 : memref<1x128x128xf32, #tpu.memory_space<vmem>> -> memref<128x128xf32, #tpu.memory_space<vmem>>
    %dma_start3A_185 = arith.constant 0 : i32
    %dma_start3A_186 = tpu.memref_slice %arg8[%dma_start3A_179, %dma_start3A_185] : memref<4x128xi32, #tpu.memory_space<vmem>> -> memref<1x128xi32, #tpu.memory_space<vmem>>
    %dma_start3A_187 = tpu.memref_squeeze %dma_start3A_186 : memref<1x128xi32, #tpu.memory_space<vmem>> -> memref<128xi32, #tpu.memory_space<vmem>>
    %dma_start3A_188 = arith.constant 0 : i32
    %dma_start3A_189 = arith.constant 0 : i32
    %dma_start3A_190 = tpu.memref_slice %arg4[%dma_start3A_188, %dma_start3A_189] : memref<65536x128xf32, #tpu.memory_space<hbm>> -> memref<65536x128xf32, #tpu.memory_space<hbm>>
    tpu.enqueue_indirect_dma source(%dma_start3A_190 : memref<65536x128xf32, #tpu.memory_space<hbm>>) target(%dma_start3A_184 : memref<128x128xf32, #tpu.memory_space<vmem>>) offsets(%dma_start3A_187 : memref<128xi32, #tpu.memory_space<vmem>>) semaphore(%arg12 : memref<!tpu.dma_semaphore, #tpu.memory_space<semaphore_mem>>)
    %dma_start3A_191 = arith.constant 2 : i32
    %dma_start3A_192 = arith.constant 0 : i32
    %dma_start3A_193 = arith.constant 0 : i32
    %dma_start3A_194 = arith.constant 0 : i32
    %dma_start3A_195 = tpu.memref_slice %arg11[%dma_start3A_192, %dma_start3A_193, %dma_start3A_194] : memref<2x128x128xf32, #tpu.memory_space<vmem>> -> memref<1x128x128xf32, #tpu.memory_space<vmem>>
    %dma_start3A_196 = tpu.memref_squeeze %dma_start3A_195 : memref<1x128x128xf32, #tpu.memory_space<vmem>> -> memref<128x128xf32, #tpu.memory_space<vmem>>
    %dma_start3A_197 = arith.constant 0 : i32
    %dma_start3A_198 = tpu.memref_slice %arg9[%dma_start3A_191, %dma_start3A_197] : memref<4x128xi32, #tpu.memory_space<vmem>> -> memref<1x128xi32, #tpu.memory_space<vmem>>
    %dma_start3A_199 = tpu.memref_squeeze %dma_start3A_198 : memref<1x128xi32, #tpu.memory_space<vmem>> -> memref<128xi32, #tpu.memory_space<vmem>>
    %dma_start3A_200 = arith.constant 0 : i32
    %dma_start3A_201 = arith.constant 0 : i32
    %dma_start3A_202 = tpu.memref_slice %arg5[%dma_start3A_200, %dma_start3A_201] : memref<500x128xf32, #tpu.memory_space<hbm>> -> memref<500x128xf32, #tpu.memory_space<hbm>>
    tpu.enqueue_indirect_dma source(%dma_start3A_202 : memref<500x128xf32, #tpu.memory_space<hbm>>) target(%dma_start3A_196 : memref<128x128xf32, #tpu.memory_space<vmem>>) offsets(%dma_start3A_199 : memref<128xi32, #tpu.memory_space<vmem>>) semaphore(%arg12 : memref<!tpu.dma_semaphore, #tpu.memory_space<semaphore_mem>>)
    %dma_wait3A_203 = arith.constant 2 : i32
    %dma_wait3A_204 = arith.constant 0 : i32
    %dma_wait3A_205 = arith.constant 0 : i32
    %dma_wait3A_206 = arith.constant 0 : i32
    %dma_wait3A_207 = tpu.memref_slice %arg10[%dma_wait3A_204, %dma_wait3A_205, %dma_wait3A_206] : memref<2x128x128xf32, #tpu.memory_space<vmem>> -> memref<1x128x128xf32, #tpu.memory_space<vmem>>
    %dma_wait3A_208 = tpu.memref_squeeze %dma_wait3A_207 : memref<1x128x128xf32, #tpu.memory_space<vmem>> -> memref<128x128xf32, #tpu.memory_space<vmem>>
    %dma_wait3A_209 = arith.constant 0 : i32
    %dma_wait3A_210 = tpu.memref_slice %arg8[%dma_wait3A_203, %dma_wait3A_209] : memref<4x128xi32, #tpu.memory_space<vmem>> -> memref<1x128xi32, #tpu.memory_space<vmem>>
    %dma_wait3A_211 = tpu.memref_squeeze %dma_wait3A_210 : memref<1x128xi32, #tpu.memory_space<vmem>> -> memref<128xi32, #tpu.memory_space<vmem>>
    %dma_wait3A_212 = arith.constant 0 : i32
    %dma_wait3A_213 = arith.constant 0 : i32
    %dma_wait3A_214 = tpu.memref_slice %arg4[%dma_wait3A_212, %dma_wait3A_213] : memref<65536x128xf32, #tpu.memory_space<hbm>> -> memref<65536x128xf32, #tpu.memory_space<hbm>>
    tpu.wait_indirect_dma semaphore(%arg12 : memref<!tpu.dma_semaphore, #tpu.memory_space<semaphore_mem>>) src(%dma_wait3A_214 : memref<65536x128xf32, #tpu.memory_space<hbm>>) dst(%dma_wait3A_208 : memref<128x128xf32, #tpu.memory_space<vmem>>)
    %dma_wait3A_215 = arith.constant 2 : i32
    %dma_wait3A_216 = arith.constant 0 : i32
    %dma_wait3A_217 = arith.constant 0 : i32
    %dma_wait3A_218 = arith.constant 0 : i32
    %dma_wait3A_219 = tpu.memref_slice %arg11[%dma_wait3A_216, %dma_wait3A_217, %dma_wait3A_218] : memref<2x128x128xf32, #tpu.memory_space<vmem>> -> memref<1x128x128xf32, #tpu.memory_space<vmem>>
    %dma_wait3A_220 = tpu.memref_squeeze %dma_wait3A_219 : memref<1x128x128xf32, #tpu.memory_space<vmem>> -> memref<128x128xf32, #tpu.memory_space<vmem>>
    %dma_wait3A_221 = arith.constant 0 : i32
    %dma_wait3A_222 = tpu.memref_slice %arg9[%dma_wait3A_215, %dma_wait3A_221] : memref<4x128xi32, #tpu.memory_space<vmem>> -> memref<1x128xi32, #tpu.memory_space<vmem>>
    %dma_wait3A_223 = tpu.memref_squeeze %dma_wait3A_222 : memref<1x128xi32, #tpu.memory_space<vmem>> -> memref<128xi32, #tpu.memory_space<vmem>>
    %dma_wait3A_224 = arith.constant 0 : i32
    %dma_wait3A_225 = arith.constant 0 : i32
    %dma_wait3A_226 = tpu.memref_slice %arg5[%dma_wait3A_224, %dma_wait3A_225] : memref<500x128xf32, #tpu.memory_space<hbm>> -> memref<500x128xf32, #tpu.memory_space<hbm>>
    tpu.wait_indirect_dma semaphore(%arg12 : memref<!tpu.dma_semaphore, #tpu.memory_space<semaphore_mem>>) src(%dma_wait3A_226 : memref<500x128xf32, #tpu.memory_space<hbm>>) dst(%dma_wait3A_220 : memref<128x128xf32, #tpu.memory_space<vmem>>)
    %add3A_227 = arith.constant 256 : i32
    %add3A_228 = arith.addi %mul3A_2, %add3A_227 : i32
    %dma_start3A_229 = arith.constant 0 : i32
    %dma_start3A_230 = arith.constant 0 : i32
    %dma_start3A_231 = arith.constant 0 : i32
    %dma_start3A_232 = tpu.memref_slice %arg10[%dma_start3A_229, %dma_start3A_230, %dma_start3A_231] : memref<2x128x128xf32, #tpu.memory_space<vmem>> -> memref<1x128x128xf32, #tpu.memory_space<vmem>>
    %dma_start3A_233 = tpu.memref_squeeze %dma_start3A_232 : memref<1x128x128xf32, #tpu.memory_space<vmem>> -> memref<128x128xf32, #tpu.memory_space<vmem>>
    %dma_start3A_234 = arith.constant 0 : i32
    %dma_start3A_235 = tpu.memref_slice %arg6[%add3A_228, %dma_start3A_234] : memref<16384x128xf32, #tpu.memory_space<hbm>> -> memref<128x128xf32, #tpu.memory_space<hbm>>
    %dma_start3A_236 = arith.constant 0 : i32
    %dma_start3A_237 = tpu.memref_slice %arg6[%add3A_228, %dma_start3A_236] : memref<16384x128xf32, #tpu.memory_space<hbm>> -> memref<128x128xf32, #tpu.memory_space<hbm>>
    %dma_start3A_238 = arith.constant 0 : i32
    %dma_start3A_239 = arith.constant 0 : i32
    %dma_start3A_240 = tpu.memref_slice %arg10[%dma_start3A_229, %dma_start3A_238, %dma_start3A_239] : memref<2x128x128xf32, #tpu.memory_space<vmem>> -> memref<1x128x128xf32, #tpu.memory_space<vmem>>
    %dma_start3A_241 = tpu.memref_squeeze %dma_start3A_240 : memref<1x128x128xf32, #tpu.memory_space<vmem>> -> memref<128x128xf32, #tpu.memory_space<vmem>>
    tpu.enqueue_dma source(%dma_start3A_241 : memref<128x128xf32, #tpu.memory_space<vmem>>) target(%dma_start3A_237 : memref<128x128xf32, #tpu.memory_space<hbm>>) target_semaphore(%arg13 : memref<!tpu.dma_semaphore, #tpu.memory_space<semaphore_mem>>)
    %dma_start3A_242 = arith.constant 0 : i32
    %dma_start3A_243 = arith.constant 0 : i32
    %dma_start3A_244 = arith.constant 0 : i32
    %dma_start3A_245 = tpu.memref_slice %arg11[%dma_start3A_242, %dma_start3A_243, %dma_start3A_244] : memref<2x128x128xf32, #tpu.memory_space<vmem>> -> memref<1x128x128xf32, #tpu.memory_space<vmem>>
    %dma_start3A_246 = tpu.memref_squeeze %dma_start3A_245 : memref<1x128x128xf32, #tpu.memory_space<vmem>> -> memref<128x128xf32, #tpu.memory_space<vmem>>
    %dma_start3A_247 = arith.constant 0 : i32
    %dma_start3A_248 = tpu.memref_slice %arg7[%add3A_228, %dma_start3A_247] : memref<16384x128xf32, #tpu.memory_space<hbm>> -> memref<128x128xf32, #tpu.memory_space<hbm>>
    %dma_start3A_249 = arith.constant 0 : i32
    %dma_start3A_250 = tpu.memref_slice %arg7[%add3A_228, %dma_start3A_249] : memref<16384x128xf32, #tpu.memory_space<hbm>> -> memref<128x128xf32, #tpu.memory_space<hbm>>
    %dma_start3A_251 = arith.constant 0 : i32
    %dma_start3A_252 = arith.constant 0 : i32
    %dma_start3A_253 = tpu.memref_slice %arg11[%dma_start3A_242, %dma_start3A_251, %dma_start3A_252] : memref<2x128x128xf32, #tpu.memory_space<vmem>> -> memref<1x128x128xf32, #tpu.memory_space<vmem>>
    %dma_start3A_254 = tpu.memref_squeeze %dma_start3A_253 : memref<1x128x128xf32, #tpu.memory_space<vmem>> -> memref<128x128xf32, #tpu.memory_space<vmem>>
    tpu.enqueue_dma source(%dma_start3A_254 : memref<128x128xf32, #tpu.memory_space<vmem>>) target(%dma_start3A_250 : memref<128x128xf32, #tpu.memory_space<hbm>>) target_semaphore(%arg13 : memref<!tpu.dma_semaphore, #tpu.memory_space<semaphore_mem>>)
    %dma_wait3A_255 = arith.constant 1 : i32
    %dma_wait3A_256 = arith.constant 0 : i32
    %dma_wait3A_257 = arith.constant 0 : i32
    %dma_wait3A_258 = tpu.memref_slice %arg10[%dma_wait3A_255, %dma_wait3A_256, %dma_wait3A_257] : memref<2x128x128xf32, #tpu.memory_space<vmem>> -> memref<1x128x128xf32, #tpu.memory_space<vmem>>
    %dma_wait3A_259 = tpu.memref_squeeze %dma_wait3A_258 : memref<1x128x128xf32, #tpu.memory_space<vmem>> -> memref<128x128xf32, #tpu.memory_space<vmem>>
    %dma_wait3A_260 = arith.constant 0 : i32
    %dma_wait3A_261 = tpu.memref_slice %arg6[%add3A_126, %dma_wait3A_260] : memref<16384x128xf32, #tpu.memory_space<hbm>> -> memref<128x128xf32, #tpu.memory_space<hbm>>
    %dma_wait3A_262 = arith.constant 0 : i32
    %dma_wait3A_263 = tpu.memref_slice %arg6[%add3A_126, %dma_wait3A_262] : memref<16384x128xf32, #tpu.memory_space<hbm>> -> memref<128x128xf32, #tpu.memory_space<hbm>>
    %dma_wait3A_264 = arith.constant 0 : i32
    %dma_wait3A_265 = arith.constant 0 : i32
    %dma_wait3A_266 = tpu.memref_slice %arg10[%dma_wait3A_255, %dma_wait3A_264, %dma_wait3A_265] : memref<2x128x128xf32, #tpu.memory_space<vmem>> -> memref<1x128x128xf32, #tpu.memory_space<vmem>>
    %dma_wait3A_267 = tpu.memref_squeeze %dma_wait3A_266 : memref<1x128x128xf32, #tpu.memory_space<vmem>> -> memref<128x128xf32, #tpu.memory_space<vmem>>
    tpu.wait_dma2 semaphore(%arg13 : memref<!tpu.dma_semaphore, #tpu.memory_space<semaphore_mem>>) src(%dma_wait3A_267 : memref<128x128xf32, #tpu.memory_space<vmem>>) dst(%dma_wait3A_263 : memref<128x128xf32, #tpu.memory_space<hbm>>)
    %dma_wait3A_268 = arith.constant 1 : i32
    %dma_wait3A_269 = arith.constant 0 : i32
    %dma_wait3A_270 = arith.constant 0 : i32
    %dma_wait3A_271 = tpu.memref_slice %arg11[%dma_wait3A_268, %dma_wait3A_269, %dma_wait3A_270] : memref<2x128x128xf32, #tpu.memory_space<vmem>> -> memref<1x128x128xf32, #tpu.memory_space<vmem>>
    %dma_wait3A_272 = tpu.memref_squeeze %dma_wait3A_271 : memref<1x128x128xf32, #tpu.memory_space<vmem>> -> memref<128x128xf32, #tpu.memory_space<vmem>>
    %dma_wait3A_273 = arith.constant 0 : i32
    %dma_wait3A_274 = tpu.memref_slice %arg7[%add3A_126, %dma_wait3A_273] : memref<16384x128xf32, #tpu.memory_space<hbm>> -> memref<128x128xf32, #tpu.memory_space<hbm>>
    %dma_wait3A_275 = arith.constant 0 : i32
    %dma_wait3A_276 = tpu.memref_slice %arg7[%add3A_126, %dma_wait3A_275] : memref<16384x128xf32, #tpu.memory_space<hbm>> -> memref<128x128xf32, #tpu.memory_space<hbm>>
    %dma_wait3A_277 = arith.constant 0 : i32
    %dma_wait3A_278 = arith.constant 0 : i32
    %dma_wait3A_279 = tpu.memref_slice %arg11[%dma_wait3A_268, %dma_wait3A_277, %dma_wait3A_278] : memref<2x128x128xf32, #tpu.memory_space<vmem>> -> memref<1x128x128xf32, #tpu.memory_space<vmem>>
    %dma_wait3A_280 = tpu.memref_squeeze %dma_wait3A_279 : memref<1x128x128xf32, #tpu.memory_space<vmem>> -> memref<128x128xf32, #tpu.memory_space<vmem>>
    tpu.wait_dma2 semaphore(%arg13 : memref<!tpu.dma_semaphore, #tpu.memory_space<semaphore_mem>>) src(%dma_wait3A_280 : memref<128x128xf32, #tpu.memory_space<vmem>>) dst(%dma_wait3A_276 : memref<128x128xf32, #tpu.memory_space<hbm>>)
    %dma_start3A_281 = arith.constant 3 : i32
    %dma_start3A_282 = arith.constant 1 : i32
    %dma_start3A_283 = arith.constant 0 : i32
    %dma_start3A_284 = arith.constant 0 : i32
    %dma_start3A_285 = tpu.memref_slice %arg10[%dma_start3A_282, %dma_start3A_283, %dma_start3A_284] : memref<2x128x128xf32, #tpu.memory_space<vmem>> -> memref<1x128x128xf32, #tpu.memory_space<vmem>>
    %dma_start3A_286 = tpu.memref_squeeze %dma_start3A_285 : memref<1x128x128xf32, #tpu.memory_space<vmem>> -> memref<128x128xf32, #tpu.memory_space<vmem>>
    %dma_start3A_287 = arith.constant 0 : i32
    %dma_start3A_288 = tpu.memref_slice %arg8[%dma_start3A_281, %dma_start3A_287] : memref<4x128xi32, #tpu.memory_space<vmem>> -> memref<1x128xi32, #tpu.memory_space<vmem>>
    %dma_start3A_289 = tpu.memref_squeeze %dma_start3A_288 : memref<1x128xi32, #tpu.memory_space<vmem>> -> memref<128xi32, #tpu.memory_space<vmem>>
    %dma_start3A_290 = arith.constant 0 : i32
    %dma_start3A_291 = arith.constant 0 : i32
    %dma_start3A_292 = tpu.memref_slice %arg4[%dma_start3A_290, %dma_start3A_291] : memref<65536x128xf32, #tpu.memory_space<hbm>> -> memref<65536x128xf32, #tpu.memory_space<hbm>>
    tpu.enqueue_indirect_dma source(%dma_start3A_292 : memref<65536x128xf32, #tpu.memory_space<hbm>>) target(%dma_start3A_286 : memref<128x128xf32, #tpu.memory_space<vmem>>) offsets(%dma_start3A_289 : memref<128xi32, #tpu.memory_space<vmem>>) semaphore(%arg12 : memref<!tpu.dma_semaphore, #tpu.memory_space<semaphore_mem>>)
    %dma_start3A_293 = arith.constant 3 : i32
    %dma_start3A_294 = arith.constant 1 : i32
    %dma_start3A_295 = arith.constant 0 : i32
    %dma_start3A_296 = arith.constant 0 : i32
    %dma_start3A_297 = tpu.memref_slice %arg11[%dma_start3A_294, %dma_start3A_295, %dma_start3A_296] : memref<2x128x128xf32, #tpu.memory_space<vmem>> -> memref<1x128x128xf32, #tpu.memory_space<vmem>>
    %dma_start3A_298 = tpu.memref_squeeze %dma_start3A_297 : memref<1x128x128xf32, #tpu.memory_space<vmem>> -> memref<128x128xf32, #tpu.memory_space<vmem>>
    %dma_start3A_299 = arith.constant 0 : i32
    %dma_start3A_300 = tpu.memref_slice %arg9[%dma_start3A_293, %dma_start3A_299] : memref<4x128xi32, #tpu.memory_space<vmem>> -> memref<1x128xi32, #tpu.memory_space<vmem>>
    %dma_start3A_301 = tpu.memref_squeeze %dma_start3A_300 : memref<1x128xi32, #tpu.memory_space<vmem>> -> memref<128xi32, #tpu.memory_space<vmem>>
    %dma_start3A_302 = arith.constant 0 : i32
    %dma_start3A_303 = arith.constant 0 : i32
    %dma_start3A_304 = tpu.memref_slice %arg5[%dma_start3A_302, %dma_start3A_303] : memref<500x128xf32, #tpu.memory_space<hbm>> -> memref<500x128xf32, #tpu.memory_space<hbm>>
    tpu.enqueue_indirect_dma source(%dma_start3A_304 : memref<500x128xf32, #tpu.memory_space<hbm>>) target(%dma_start3A_298 : memref<128x128xf32, #tpu.memory_space<vmem>>) offsets(%dma_start3A_301 : memref<128xi32, #tpu.memory_space<vmem>>) semaphore(%arg12 : memref<!tpu.dma_semaphore, #tpu.memory_space<semaphore_mem>>)
    %dma_wait3A_305 = arith.constant 3 : i32
    %dma_wait3A_306 = arith.constant 1 : i32
    %dma_wait3A_307 = arith.constant 0 : i32
    %dma_wait3A_308 = arith.constant 0 : i32
    %dma_wait3A_309 = tpu.memref_slice %arg10[%dma_wait3A_306, %dma_wait3A_307, %dma_wait3A_308] : memref<2x128x128xf32, #tpu.memory_space<vmem>> -> memref<1x128x128xf32, #tpu.memory_space<vmem>>
    %dma_wait3A_310 = tpu.memref_squeeze %dma_wait3A_309 : memref<1x128x128xf32, #tpu.memory_space<vmem>> -> memref<128x128xf32, #tpu.memory_space<vmem>>
    %dma_wait3A_311 = arith.constant 0 : i32
    %dma_wait3A_312 = tpu.memref_slice %arg8[%dma_wait3A_305, %dma_wait3A_311] : memref<4x128xi32, #tpu.memory_space<vmem>> -> memref<1x128xi32, #tpu.memory_space<vmem>>
    %dma_wait3A_313 = tpu.memref_squeeze %dma_wait3A_312 : memref<1x128xi32, #tpu.memory_space<vmem>> -> memref<128xi32, #tpu.memory_space<vmem>>
    %dma_wait3A_314 = arith.constant 0 : i32
    %dma_wait3A_315 = arith.constant 0 : i32
    %dma_wait3A_316 = tpu.memref_slice %arg4[%dma_wait3A_314, %dma_wait3A_315] : memref<65536x128xf32, #tpu.memory_space<hbm>> -> memref<65536x128xf32, #tpu.memory_space<hbm>>
    tpu.wait_indirect_dma semaphore(%arg12 : memref<!tpu.dma_semaphore, #tpu.memory_space<semaphore_mem>>) src(%dma_wait3A_316 : memref<65536x128xf32, #tpu.memory_space<hbm>>) dst(%dma_wait3A_310 : memref<128x128xf32, #tpu.memory_space<vmem>>)
    %dma_wait3A_317 = arith.constant 3 : i32
    %dma_wait3A_318 = arith.constant 1 : i32
    %dma_wait3A_319 = arith.constant 0 : i32
    %dma_wait3A_320 = arith.constant 0 : i32
    %dma_wait3A_321 = tpu.memref_slice %arg11[%dma_wait3A_318, %dma_wait3A_319, %dma_wait3A_320] : memref<2x128x128xf32, #tpu.memory_space<vmem>> -> memref<1x128x128xf32, #tpu.memory_space<vmem>>
    %dma_wait3A_322 = tpu.memref_squeeze %dma_wait3A_321 : memref<1x128x128xf32, #tpu.memory_space<vmem>> -> memref<128x128xf32, #tpu.memory_space<vmem>>
    %dma_wait3A_323 = arith.constant 0 : i32
    %dma_wait3A_324 = tpu.memref_slice %arg9[%dma_wait3A_317, %dma_wait3A_323] : memref<4x128xi32, #tpu.memory_space<vmem>> -> memref<1x128xi32, #tpu.memory_space<vmem>>
    %dma_wait3A_325 = tpu.memref_squeeze %dma_wait3A_324 : memref<1x128xi32, #tpu.memory_space<vmem>> -> memref<128xi32, #tpu.memory_space<vmem>>
    %dma_wait3A_326 = arith.constant 0 : i32
    %dma_wait3A_327 = arith.constant 0 : i32
    %dma_wait3A_328 = tpu.memref_slice %arg5[%dma_wait3A_326, %dma_wait3A_327] : memref<500x128xf32, #tpu.memory_space<hbm>> -> memref<500x128xf32, #tpu.memory_space<hbm>>
    tpu.wait_indirect_dma semaphore(%arg12 : memref<!tpu.dma_semaphore, #tpu.memory_space<semaphore_mem>>) src(%dma_wait3A_328 : memref<500x128xf32, #tpu.memory_space<hbm>>) dst(%dma_wait3A_322 : memref<128x128xf32, #tpu.memory_space<vmem>>)
    %add3A_329 = arith.constant 384 : i32
    %add3A_330 = arith.addi %mul3A_2, %add3A_329 : i32
    %dma_start3A_331 = arith.constant 1 : i32
    %dma_start3A_332 = arith.constant 0 : i32
    %dma_start3A_333 = arith.constant 0 : i32
    %dma_start3A_334 = tpu.memref_slice %arg10[%dma_start3A_331, %dma_start3A_332, %dma_start3A_333] : memref<2x128x128xf32, #tpu.memory_space<vmem>> -> memref<1x128x128xf32, #tpu.memory_space<vmem>>
    %dma_start3A_335 = tpu.memref_squeeze %dma_start3A_334 : memref<1x128x128xf32, #tpu.memory_space<vmem>> -> memref<128x128xf32, #tpu.memory_space<vmem>>
    %dma_start3A_336 = arith.constant 0 : i32
    %dma_start3A_337 = tpu.memref_slice %arg6[%add3A_330, %dma_start3A_336] : memref<16384x128xf32, #tpu.memory_space<hbm>> -> memref<128x128xf32, #tpu.memory_space<hbm>>
    %dma_start3A_338 = arith.constant 0 : i32
    %dma_start3A_339 = tpu.memref_slice %arg6[%add3A_330, %dma_start3A_338] : memref<16384x128xf32, #tpu.memory_space<hbm>> -> memref<128x128xf32, #tpu.memory_space<hbm>>
    %dma_start3A_340 = arith.constant 0 : i32
    %dma_start3A_341 = arith.constant 0 : i32
    %dma_start3A_342 = tpu.memref_slice %arg10[%dma_start3A_331, %dma_start3A_340, %dma_start3A_341] : memref<2x128x128xf32, #tpu.memory_space<vmem>> -> memref<1x128x128xf32, #tpu.memory_space<vmem>>
    %dma_start3A_343 = tpu.memref_squeeze %dma_start3A_342 : memref<1x128x128xf32, #tpu.memory_space<vmem>> -> memref<128x128xf32, #tpu.memory_space<vmem>>
    tpu.enqueue_dma source(%dma_start3A_343 : memref<128x128xf32, #tpu.memory_space<vmem>>) target(%dma_start3A_339 : memref<128x128xf32, #tpu.memory_space<hbm>>) target_semaphore(%arg13 : memref<!tpu.dma_semaphore, #tpu.memory_space<semaphore_mem>>)
    %dma_start3A_344 = arith.constant 1 : i32
    %dma_start3A_345 = arith.constant 0 : i32
    %dma_start3A_346 = arith.constant 0 : i32
    %dma_start3A_347 = tpu.memref_slice %arg11[%dma_start3A_344, %dma_start3A_345, %dma_start3A_346] : memref<2x128x128xf32, #tpu.memory_space<vmem>> -> memref<1x128x128xf32, #tpu.memory_space<vmem>>
    %dma_start3A_348 = tpu.memref_squeeze %dma_start3A_347 : memref<1x128x128xf32, #tpu.memory_space<vmem>> -> memref<128x128xf32, #tpu.memory_space<vmem>>
    %dma_start3A_349 = arith.constant 0 : i32
    %dma_start3A_350 = tpu.memref_slice %arg7[%add3A_330, %dma_start3A_349] : memref<16384x128xf32, #tpu.memory_space<hbm>> -> memref<128x128xf32, #tpu.memory_space<hbm>>
    %dma_start3A_351 = arith.constant 0 : i32
    %dma_start3A_352 = tpu.memref_slice %arg7[%add3A_330, %dma_start3A_351] : memref<16384x128xf32, #tpu.memory_space<hbm>> -> memref<128x128xf32, #tpu.memory_space<hbm>>
    %dma_start3A_353 = arith.constant 0 : i32
    %dma_start3A_354 = arith.constant 0 : i32
    %dma_start3A_355 = tpu.memref_slice %arg11[%dma_start3A_344, %dma_start3A_353, %dma_start3A_354] : memref<2x128x128xf32, #tpu.memory_space<vmem>> -> memref<1x128x128xf32, #tpu.memory_space<vmem>>
    %dma_start3A_356 = tpu.memref_squeeze %dma_start3A_355 : memref<1x128x128xf32, #tpu.memory_space<vmem>> -> memref<128x128xf32, #tpu.memory_space<vmem>>
    tpu.enqueue_dma source(%dma_start3A_356 : memref<128x128xf32, #tpu.memory_space<vmem>>) target(%dma_start3A_352 : memref<128x128xf32, #tpu.memory_space<hbm>>) target_semaphore(%arg13 : memref<!tpu.dma_semaphore, #tpu.memory_space<semaphore_mem>>)
    %dma_wait3A_357 = arith.constant 0 : i32
    %dma_wait3A_358 = arith.constant 0 : i32
    %dma_wait3A_359 = arith.constant 0 : i32
    %dma_wait3A_360 = tpu.memref_slice %arg10[%dma_wait3A_357, %dma_wait3A_358, %dma_wait3A_359] : memref<2x128x128xf32, #tpu.memory_space<vmem>> -> memref<1x128x128xf32, #tpu.memory_space<vmem>>
    %dma_wait3A_361 = tpu.memref_squeeze %dma_wait3A_360 : memref<1x128x128xf32, #tpu.memory_space<vmem>> -> memref<128x128xf32, #tpu.memory_space<vmem>>
    %dma_wait3A_362 = arith.constant 0 : i32
    %dma_wait3A_363 = tpu.memref_slice %arg6[%add3A_228, %dma_wait3A_362] : memref<16384x128xf32, #tpu.memory_space<hbm>> -> memref<128x128xf32, #tpu.memory_space<hbm>>
    %dma_wait3A_364 = arith.constant 0 : i32
    %dma_wait3A_365 = tpu.memref_slice %arg6[%add3A_228, %dma_wait3A_364] : memref<16384x128xf32, #tpu.memory_space<hbm>> -> memref<128x128xf32, #tpu.memory_space<hbm>>
    %dma_wait3A_366 = arith.constant 0 : i32
    %dma_wait3A_367 = arith.constant 0 : i32
    %dma_wait3A_368 = tpu.memref_slice %arg10[%dma_wait3A_357, %dma_wait3A_366, %dma_wait3A_367] : memref<2x128x128xf32, #tpu.memory_space<vmem>> -> memref<1x128x128xf32, #tpu.memory_space<vmem>>
    %dma_wait3A_369 = tpu.memref_squeeze %dma_wait3A_368 : memref<1x128x128xf32, #tpu.memory_space<vmem>> -> memref<128x128xf32, #tpu.memory_space<vmem>>
    tpu.wait_dma2 semaphore(%arg13 : memref<!tpu.dma_semaphore, #tpu.memory_space<semaphore_mem>>) src(%dma_wait3A_369 : memref<128x128xf32, #tpu.memory_space<vmem>>) dst(%dma_wait3A_365 : memref<128x128xf32, #tpu.memory_space<hbm>>)
    %dma_wait3A_370 = arith.constant 0 : i32
    %dma_wait3A_371 = arith.constant 0 : i32
    %dma_wait3A_372 = arith.constant 0 : i32
    %dma_wait3A_373 = tpu.memref_slice %arg11[%dma_wait3A_370, %dma_wait3A_371, %dma_wait3A_372] : memref<2x128x128xf32, #tpu.memory_space<vmem>> -> memref<1x128x128xf32, #tpu.memory_space<vmem>>
    %dma_wait3A_374 = tpu.memref_squeeze %dma_wait3A_373 : memref<1x128x128xf32, #tpu.memory_space<vmem>> -> memref<128x128xf32, #tpu.memory_space<vmem>>
    %dma_wait3A_375 = arith.constant 0 : i32
    %dma_wait3A_376 = tpu.memref_slice %arg7[%add3A_228, %dma_wait3A_375] : memref<16384x128xf32, #tpu.memory_space<hbm>> -> memref<128x128xf32, #tpu.memory_space<hbm>>
    %dma_wait3A_377 = arith.constant 0 : i32
    %dma_wait3A_378 = tpu.memref_slice %arg7[%add3A_228, %dma_wait3A_377] : memref<16384x128xf32, #tpu.memory_space<hbm>> -> memref<128x128xf32, #tpu.memory_space<hbm>>
    %dma_wait3A_379 = arith.constant 0 : i32
    %dma_wait3A_380 = arith.constant 0 : i32
    %dma_wait3A_381 = tpu.memref_slice %arg11[%dma_wait3A_370, %dma_wait3A_379, %dma_wait3A_380] : memref<2x128x128xf32, #tpu.memory_space<vmem>> -> memref<1x128x128xf32, #tpu.memory_space<vmem>>
    %dma_wait3A_382 = tpu.memref_squeeze %dma_wait3A_381 : memref<1x128x128xf32, #tpu.memory_space<vmem>> -> memref<128x128xf32, #tpu.memory_space<vmem>>
    tpu.wait_dma2 semaphore(%arg13 : memref<!tpu.dma_semaphore, #tpu.memory_space<semaphore_mem>>) src(%dma_wait3A_382 : memref<128x128xf32, #tpu.memory_space<vmem>>) dst(%dma_wait3A_378 : memref<128x128xf32, #tpu.memory_space<hbm>>)
    %dma_wait3A_383 = arith.constant 1 : i32
    %dma_wait3A_384 = arith.constant 0 : i32
    %dma_wait3A_385 = arith.constant 0 : i32
    %dma_wait3A_386 = tpu.memref_slice %arg10[%dma_wait3A_383, %dma_wait3A_384, %dma_wait3A_385] : memref<2x128x128xf32, #tpu.memory_space<vmem>> -> memref<1x128x128xf32, #tpu.memory_space<vmem>>
    %dma_wait3A_387 = tpu.memref_squeeze %dma_wait3A_386 : memref<1x128x128xf32, #tpu.memory_space<vmem>> -> memref<128x128xf32, #tpu.memory_space<vmem>>
    %dma_wait3A_388 = arith.constant 0 : i32
    %dma_wait3A_389 = tpu.memref_slice %arg6[%add3A_330, %dma_wait3A_388] : memref<16384x128xf32, #tpu.memory_space<hbm>> -> memref<128x128xf32, #tpu.memory_space<hbm>>
    %dma_wait3A_390 = arith.constant 0 : i32
    %dma_wait3A_391 = tpu.memref_slice %arg6[%add3A_330, %dma_wait3A_390] : memref<16384x128xf32, #tpu.memory_space<hbm>> -> memref<128x128xf32, #tpu.memory_space<hbm>>
    %dma_wait3A_392 = arith.constant 0 : i32
    %dma_wait3A_393 = arith.constant 0 : i32
    %dma_wait3A_394 = tpu.memref_slice %arg10[%dma_wait3A_383, %dma_wait3A_392, %dma_wait3A_393] : memref<2x128x128xf32, #tpu.memory_space<vmem>> -> memref<1x128x128xf32, #tpu.memory_space<vmem>>
    %dma_wait3A_395 = tpu.memref_squeeze %dma_wait3A_394 : memref<1x128x128xf32, #tpu.memory_space<vmem>> -> memref<128x128xf32, #tpu.memory_space<vmem>>
    tpu.wait_dma2 semaphore(%arg13 : memref<!tpu.dma_semaphore, #tpu.memory_space<semaphore_mem>>) src(%dma_wait3A_395 : memref<128x128xf32, #tpu.memory_space<vmem>>) dst(%dma_wait3A_391 : memref<128x128xf32, #tpu.memory_space<hbm>>)
    %dma_wait3A_396 = arith.constant 1 : i32
    %dma_wait3A_397 = arith.constant 0 : i32
    %dma_wait3A_398 = arith.constant 0 : i32
    %dma_wait3A_399 = tpu.memref_slice %arg11[%dma_wait3A_396, %dma_wait3A_397, %dma_wait3A_398] : memref<2x128x128xf32, #tpu.memory_space<vmem>> -> memref<1x128x128xf32, #tpu.memory_space<vmem>>
    %dma_wait3A_400 = tpu.memref_squeeze %dma_wait3A_399 : memref<1x128x128xf32, #tpu.memory_space<vmem>> -> memref<128x128xf32, #tpu.memory_space<vmem>>
    %dma_wait3A_401 = arith.constant 0 : i32
    %dma_wait3A_402 = tpu.memref_slice %arg7[%add3A_330, %dma_wait3A_401] : memref<16384x128xf32, #tpu.memory_space<hbm>> -> memref<128x128xf32, #tpu.memory_space<hbm>>
    %dma_wait3A_403 = arith.constant 0 : i32
    %dma_wait3A_404 = tpu.memref_slice %arg7[%add3A_330, %dma_wait3A_403] : memref<16384x128xf32, #tpu.memory_space<hbm>> -> memref<128x128xf32, #tpu.memory_space<hbm>>
    %dma_wait3A_405 = arith.constant 0 : i32
    %dma_wait3A_406 = arith.constant 0 : i32
    %dma_wait3A_407 = tpu.memref_slice %arg11[%dma_wait3A_396, %dma_wait3A_405, %dma_wait3A_406] : memref<2x128x128xf32, #tpu.memory_space<vmem>> -> memref<1x128x128xf32, #tpu.memory_space<vmem>>
    %dma_wait3A_408 = tpu.memref_squeeze %dma_wait3A_407 : memref<1x128x128xf32, #tpu.memory_space<vmem>> -> memref<128x128xf32, #tpu.memory_space<vmem>>
    tpu.wait_dma2 semaphore(%arg13 : memref<!tpu.dma_semaphore, #tpu.memory_space<semaphore_mem>>) src(%dma_wait3A_408 : memref<128x128xf32, #tpu.memory_space<vmem>>) dst(%dma_wait3A_404 : memref<128x128xf32, #tpu.memory_space<hbm>>)
    return
  }
}

module attributes {stable_mosaic.version = 14 : i64} {
  func.func @_pairs_body(%arg0: i32, %arg1: memref<64x32768xf32, #tpu.memory_space<vmem>>, %arg2: memref<16384x128xf32, #tpu.memory_space<vmem>>) attributes {dimension_semantics = [#tpu.dimension_semantics<arbitrary>], iteration_bounds = array<i64: 4>, scalar_prefetch = 0 : i64, scratch_operands = 0 : i64, tpu.core_type = #tpu.core_type<tc>, window_params = [{transform_indices = @transform_0, window_bounds = array<i64: 64, 32768>}, {transform_indices = @transform_1, window_bounds = array<i64: 16384, 128>}]} {
    %get3A = arith.constant 0 : index
    %get3A_0 = arith.constant 0 : index
    %get3A_1 = vector.load %arg1[%get3A, %get3A_0] : memref<64x32768xf32, #tpu.memory_space<vmem>>, vector<64x32768xf32>
    %iota3A = tpu.iota {dimensions = array<i32: 1>} : vector<64x32768xi32>
    %mul3A = arith.constant 32768 : i32
    %mul3A_2 = arith.muli %arg0, %mul3A : i32
    %add3A = vector.broadcast %mul3A_2 : i32 to vector<64x32768xi32>
    %add3A_3 = arith.addi %iota3A, %add3A : vector<64x32768xi32>
    %lt3A = arith.constant 100000 : i32
    %lt3A_4 = vector.broadcast %lt3A : i32 to vector<64x32768xi32>
    %lt3A_5 = arith.cmpi slt, %add3A_3, %lt3A_4 : vector<64x32768xi32>
    %jit3A = arith.constant 0.000000e+00 : f32
    %broadcast_in_dim3A = vector.broadcast %jit3A : f32 to vector<64x32768xf32>
    %select_n3A = arith.select %lt3A_5, %get3A_1, %broadcast_in_dim3A : vector<64x32768xi1>, vector<64x32768xf32>
    %slice3A = vector.extract_strided_slice %select_n3A {offsets = [0, 0], sizes = [64, 16384], strides = [1, 1]} : vector<64x32768xf32> to vector<64x16384xf32>
    %slice3A_6 = vector.extract_strided_slice %select_n3A {offsets = [0, 16384], sizes = [64, 16384], strides = [1, 1]} : vector<64x32768xf32> to vector<64x16384xf32>
    %concatenate3A = tpu.concatenate %slice3A, %slice3A_6 in 0 : vector<64x16384xf32>, vector<64x16384xf32> -> vector<128x16384xf32>
    %convert_element_type3A = arith.truncf %concatenate3A : vector<128x16384xf32> to vector<128x16384xbf16>
    %iota3A_7 = tpu.iota {dimensions = array<i32: 0>} : vector<128x128xi32>
    %iota3A_8 = tpu.iota {dimensions = array<i32: 1>} : vector<128x128xi32>
    %eq3A = arith.cmpi eq, %iota3A_7, %iota3A_8 : vector<128x128xi32>
    %jit3A_9 = arith.constant 1.000000e+00 : f32
    %jit3A_10 = arith.constant 0.000000e+00 : f32
    %broadcast_in_dim3A_11 = vector.broadcast %jit3A_9 : f32 to vector<128x128xf32>
    %broadcast_in_dim3A_12 = vector.broadcast %jit3A_10 : f32 to vector<128x128xf32>
    %select_n3A_13 = arith.select %eq3A, %broadcast_in_dim3A_11, %broadcast_in_dim3A_12 : vector<128x128xi1>, vector<128x128xf32>
    %convert_element_type3A_14 = arith.truncf %select_n3A_13 : vector<128x128xf32> to vector<128x128xbf16>
    %dot_general3A = arith.constant dense<0.000000e+00> : vector<16384x128xf32>
    %dot_general3A_15 = tpu.matmul %convert_element_type3A, %convert_element_type3A_14, %dot_general3A {dimension_numbers = #tpu.dot_dimension_numbers<[0], [0], [1], [1], [0, 1, 1, 1], [], []>, transpose_lhs_hint = false} : vector<128x16384xbf16>, vector<128x128xbf16>, vector<16384x128xf32> -> vector<16384x128xf32>
    %swap3A = arith.constant 0 : index
    %swap3A_16 = arith.constant 0 : index
    %swap3A_17 = vector.load %arg2[%swap3A, %swap3A_16] : memref<16384x128xf32, #tpu.memory_space<vmem>>, vector<16384x128xf32>
    tpu.vector_store %arg2[%swap3A, %swap3A_16], %dot_general3A_15 {strides = array<i32>} : memref<16384x128xf32, #tpu.memory_space<vmem>>, vector<16384x128xf32>,
    return
  }
  func.func @transform_0(%arg0: i32) -> (i32, i32) {
    %c0_i32 = arith.constant 0 : i32
    %c0_i32_0 = arith.constant 0 : i32
    return %c0_i32, %arg0 : i32, i32
  }
  func.func @transform_1(%arg0: i32) -> (i32, i32) {
    %c0_i32 = arith.constant 0 : i32
    %c0_i32_0 = arith.constant 0 : i32
    return %arg0, %c0_i32 : i32, i32
  }
}

module attributes {stable_mosaic.version = 14 : i64} {
  func.func @_pairs_body(%arg0: i32, %arg1: memref<64x1000xf32, #tpu.memory_space<vmem>>, %arg2: memref<500x128xf32, #tpu.memory_space<vmem>>) attributes {dimension_semantics = [#tpu.dimension_semantics<arbitrary>], iteration_bounds = array<i64: 1>, scalar_prefetch = 0 : i64, scratch_operands = 0 : i64, tpu.core_type = #tpu.core_type<tc>, window_params = [{transform_indices = @transform_0, window_bounds = array<i64: 64, 1000>}, {transform_indices = @transform_1, window_bounds = array<i64: 500, 128>}]} {
    %get3A = arith.constant 0 : index
    %get3A_0 = arith.constant 0 : index
    %get3A_1 = vector.load %arg1[%get3A, %get3A_0] : memref<64x1000xf32, #tpu.memory_space<vmem>>, vector<64x1000xf32>
    %iota3A = tpu.iota {dimensions = array<i32: 1>} : vector<64x1000xi32>
    %mul3A = arith.constant 1000 : i32
    %mul3A_2 = arith.muli %arg0, %mul3A : i32
    %add3A = vector.broadcast %mul3A_2 : i32 to vector<64x1000xi32>
    %add3A_3 = arith.addi %iota3A, %add3A : vector<64x1000xi32>
    %lt3A = arith.constant 1000 : i32
    %lt3A_4 = vector.broadcast %lt3A : i32 to vector<64x1000xi32>
    %lt3A_5 = arith.cmpi slt, %add3A_3, %lt3A_4 : vector<64x1000xi32>
    %jit3A = arith.constant 0.000000e+00 : f32
    %broadcast_in_dim3A = vector.broadcast %jit3A : f32 to vector<64x1000xf32>
    %select_n3A = arith.select %lt3A_5, %get3A_1, %broadcast_in_dim3A : vector<64x1000xi1>, vector<64x1000xf32>
    %slice3A = vector.extract_strided_slice %select_n3A {offsets = [0, 0], sizes = [64, 500], strides = [1, 1]} : vector<64x1000xf32> to vector<64x500xf32>
    %slice3A_6 = vector.extract_strided_slice %select_n3A {offsets = [0, 500], sizes = [64, 500], strides = [1, 1]} : vector<64x1000xf32> to vector<64x500xf32>
    %concatenate3A = tpu.concatenate %slice3A, %slice3A_6 in 0 : vector<64x500xf32>, vector<64x500xf32> -> vector<128x500xf32>
    %convert_element_type3A = arith.truncf %concatenate3A : vector<128x500xf32> to vector<128x500xbf16>
    %iota3A_7 = tpu.iota {dimensions = array<i32: 0>} : vector<128x128xi32>
    %iota3A_8 = tpu.iota {dimensions = array<i32: 1>} : vector<128x128xi32>
    %eq3A = arith.cmpi eq, %iota3A_7, %iota3A_8 : vector<128x128xi32>
    %jit3A_9 = arith.constant 1.000000e+00 : f32
    %jit3A_10 = arith.constant 0.000000e+00 : f32
    %broadcast_in_dim3A_11 = vector.broadcast %jit3A_9 : f32 to vector<128x128xf32>
    %broadcast_in_dim3A_12 = vector.broadcast %jit3A_10 : f32 to vector<128x128xf32>
    %select_n3A_13 = arith.select %eq3A, %broadcast_in_dim3A_11, %broadcast_in_dim3A_12 : vector<128x128xi1>, vector<128x128xf32>
    %convert_element_type3A_14 = arith.truncf %select_n3A_13 : vector<128x128xf32> to vector<128x128xbf16>
    %dot_general3A = arith.constant dense<0.000000e+00> : vector<500x128xf32>
    %dot_general3A_15 = tpu.matmul %convert_element_type3A, %convert_element_type3A_14, %dot_general3A {dimension_numbers = #tpu.dot_dimension_numbers<[0], [0], [1], [1], [0, 1, 1, 1], [], []>, transpose_lhs_hint = false} : vector<128x500xbf16>, vector<128x128xbf16>, vector<500x128xf32> -> vector<500x128xf32>
    %swap3A = arith.constant 0 : index
    %swap3A_16 = arith.constant 0 : index
    %swap3A_17 = vector.load %arg2[%swap3A, %swap3A_16] : memref<500x128xf32, #tpu.memory_space<vmem>>, vector<500x128xf32>
    tpu.vector_store %arg2[%swap3A, %swap3A_16], %dot_general3A_15 {strides = array<i32>} : memref<500x128xf32, #tpu.memory_space<vmem>>, vector<500x128xf32>,
    return
  }
  func.func @transform_0(%arg0: i32) -> (i32, i32) {
    %c0_i32 = arith.constant 0 : i32
    %c0_i32_0 = arith.constant 0 : i32
    return %c0_i32, %arg0 : i32, i32
  }
  func.func @transform_1(%arg0: i32) -> (i32, i32) {
    %c0_i32 = arith.constant 0 : i32
    %c0_i32_0 = arith.constant 0 : i32
    return %arg0, %c0_i32 : i32, i32
  }
}

module attributes {stable_mosaic.version = 14 : i64} {
  func.func @_pairs_body(%arg0: i32, %arg1: memref<64x32768xf32, #tpu.memory_space<vmem>>, %arg2: memref<16384x128xf32, #tpu.memory_space<vmem>>) attributes {dimension_semantics = [#tpu.dimension_semantics<arbitrary>], iteration_bounds = array<i64: 31>, scalar_prefetch = 0 : i64, scratch_operands = 0 : i64, tpu.core_type = #tpu.core_type<tc>, window_params = [{transform_indices = @transform_0, window_bounds = array<i64: 64, 32768>}, {transform_indices = @transform_1, window_bounds = array<i64: 16384, 128>}]} {
    %get3A = arith.constant 0 : index
    %get3A_0 = arith.constant 0 : index
    %get3A_1 = vector.load %arg1[%get3A, %get3A_0] : memref<64x32768xf32, #tpu.memory_space<vmem>>, vector<64x32768xf32>
    %iota3A = tpu.iota {dimensions = array<i32: 1>} : vector<64x32768xi32>
    %mul3A = arith.constant 32768 : i32
    %mul3A_2 = arith.muli %arg0, %mul3A : i32
    %add3A = vector.broadcast %mul3A_2 : i32 to vector<64x32768xi32>
    %add3A_3 = arith.addi %iota3A, %add3A : vector<64x32768xi32>
    %lt3A = arith.constant 1000000 : i32
    %lt3A_4 = vector.broadcast %lt3A : i32 to vector<64x32768xi32>
    %lt3A_5 = arith.cmpi slt, %add3A_3, %lt3A_4 : vector<64x32768xi32>
    %jit3A = arith.constant 0.000000e+00 : f32
    %broadcast_in_dim3A = vector.broadcast %jit3A : f32 to vector<64x32768xf32>
    %select_n3A = arith.select %lt3A_5, %get3A_1, %broadcast_in_dim3A : vector<64x32768xi1>, vector<64x32768xf32>
    %slice3A = vector.extract_strided_slice %select_n3A {offsets = [0, 0], sizes = [64, 16384], strides = [1, 1]} : vector<64x32768xf32> to vector<64x16384xf32>
    %slice3A_6 = vector.extract_strided_slice %select_n3A {offsets = [0, 16384], sizes = [64, 16384], strides = [1, 1]} : vector<64x32768xf32> to vector<64x16384xf32>
    %concatenate3A = tpu.concatenate %slice3A, %slice3A_6 in 0 : vector<64x16384xf32>, vector<64x16384xf32> -> vector<128x16384xf32>
    %convert_element_type3A = arith.truncf %concatenate3A : vector<128x16384xf32> to vector<128x16384xbf16>
    %iota3A_7 = tpu.iota {dimensions = array<i32: 0>} : vector<128x128xi32>
    %iota3A_8 = tpu.iota {dimensions = array<i32: 1>} : vector<128x128xi32>
    %eq3A = arith.cmpi eq, %iota3A_7, %iota3A_8 : vector<128x128xi32>
    %jit3A_9 = arith.constant 1.000000e+00 : f32
    %jit3A_10 = arith.constant 0.000000e+00 : f32
    %broadcast_in_dim3A_11 = vector.broadcast %jit3A_9 : f32 to vector<128x128xf32>
    %broadcast_in_dim3A_12 = vector.broadcast %jit3A_10 : f32 to vector<128x128xf32>
    %select_n3A_13 = arith.select %eq3A, %broadcast_in_dim3A_11, %broadcast_in_dim3A_12 : vector<128x128xi1>, vector<128x128xf32>
    %convert_element_type3A_14 = arith.truncf %select_n3A_13 : vector<128x128xf32> to vector<128x128xbf16>
    %dot_general3A = arith.constant dense<0.000000e+00> : vector<16384x128xf32>
    %dot_general3A_15 = tpu.matmul %convert_element_type3A, %convert_element_type3A_14, %dot_general3A {dimension_numbers = #tpu.dot_dimension_numbers<[0], [0], [1], [1], [0, 1, 1, 1], [], []>, transpose_lhs_hint = false} : vector<128x16384xbf16>, vector<128x128xbf16>, vector<16384x128xf32> -> vector<16384x128xf32>
    %swap3A = arith.constant 0 : index
    %swap3A_16 = arith.constant 0 : index
    %swap3A_17 = vector.load %arg2[%swap3A, %swap3A_16] : memref<16384x128xf32, #tpu.memory_space<vmem>>, vector<16384x128xf32>
    tpu.vector_store %arg2[%swap3A, %swap3A_16], %dot_general3A_15 {strides = array<i32>} : memref<16384x128xf32, #tpu.memory_space<vmem>>, vector<16384x128xf32>,
    return
  }
  func.func @transform_0(%arg0: i32) -> (i32, i32) {
    %c0_i32 = arith.constant 0 : i32
    %c0_i32_0 = arith.constant 0 : i32
    return %c0_i32, %arg0 : i32, i32
  }
  func.func @transform_1(%arg0: i32) -> (i32, i32) {
    %c0_i32 = arith.constant 0 : i32
    %c0_i32_0 = arith.constant 0 : i32
    return %arg0, %c0_i32 : i32, i32
  }
}

module attributes {stable_mosaic.version = 14 : i64} {
  func.func @_mlp_body(%arg0: i32, %arg1: memref<2048x128xf32, #tpu.memory_space<vmem>>, %arg2: memref<2048x128xf32, #tpu.memory_space<vmem>>, %arg3: memref<2048x128xf32, #tpu.memory_space<vmem>>, %arg4: memref<2048x1xi32, #tpu.memory_space<vmem>>, %arg5: memref<2048x1xi32, #tpu.memory_space<vmem>>, %arg6: memref<2048x1xi32, #tpu.memory_space<vmem>>, %arg7: memref<192x128xf32, #tpu.memory_space<vmem>>, %arg8: memref<1x128xf32, #tpu.memory_space<vmem>>, %arg9: memref<128x64xf32, #tpu.memory_space<vmem>>, %arg10: memref<1x64xf32, #tpu.memory_space<vmem>>, %arg11: memref<64x128xf32, #tpu.memory_space<vmem>>, %arg12: memref<1x128xf32, #tpu.memory_space<vmem>>, %arg13: memref<2048x128xf32, #tpu.memory_space<vmem>>) attributes {dimension_semantics = [#tpu.dimension_semantics<arbitrary>], iteration_bounds = array<i64: 8>, scalar_prefetch = 0 : i64, scratch_operands = 0 : i64, tpu.core_type = #tpu.core_type<tc>, window_params = [{transform_indices = @transform_0, window_bounds = array<i64: 2048, 128>}, {transform_indices = @transform_1, window_bounds = array<i64: 2048, 128>}, {transform_indices = @transform_2, window_bounds = array<i64: 2048, 128>}, {transform_indices = @transform_3, window_bounds = array<i64: 2048, 1>}, {transform_indices = @transform_4, window_bounds = array<i64: 2048, 1>}, {transform_indices = @transform_5, window_bounds = array<i64: 2048, 1>}, {pipeline_mode = #tpu.pipeline_mode<synchronous>, transform_indices = @transform_6, window_bounds = array<i64: 192, 128>}, {pipeline_mode = #tpu.pipeline_mode<synchronous>, transform_indices = @transform_7, window_bounds = array<i64: 1, 128>}, {pipeline_mode = #tpu.pipeline_mode<synchronous>, transform_indices = @transform_8, window_bounds = array<i64: 128, 64>}, {pipeline_mode = #tpu.pipeline_mode<synchronous>, transform_indices = @transform_9, window_bounds = array<i64: 1, 64>}, {pipeline_mode = #tpu.pipeline_mode<synchronous>, transform_indices = @transform_10, window_bounds = array<i64: 64, 128>}, {pipeline_mode = #tpu.pipeline_mode<synchronous>, transform_indices = @transform_11, window_bounds = array<i64: 1, 128>}, {transform_indices = @transform_12, window_bounds = array<i64: 2048, 128>}]} {
    %get3A = arith.constant 0 : index
    %get3A_0 = arith.constant 0 : index
    %get3A_1 = vector.load %arg7[%get3A, %get3A_0] : memref<192x128xf32, #tpu.memory_space<vmem>>, vector<192x128xf32>
    %get3A_2 = arith.constant 0 : index
    %get3A_3 = arith.constant 0 : index
    %get3A_4 = vector.load %arg1[%get3A_2, %get3A_3] : memref<2048x128xf32, #tpu.memory_space<vmem>>, vector<2048x128xf32>
    %get3A_5 = arith.constant 0 : index
    %get3A_6 = arith.constant 0 : index
    %get3A_7 = vector.load %arg4[%get3A_5, %get3A_6] : memref<2048x1xi32, #tpu.memory_space<vmem>>, vector<2048x1xi32>
    %ne3A = arith.constant 0 : i32
    %ne3A_8 = vector.broadcast %ne3A : i32 to vector<2048x1xi32>
    %ne3A_9 = arith.cmpi ne, %get3A_7, %ne3A_8 : vector<2048x1xi32>
    %slice3A = vector.extract_strided_slice %get3A_4 {offsets = [0, 64], sizes = [2048, 64], strides = [1, 1]} : vector<2048x128xf32> to vector<2048x64xf32>
    %slice3A_10 = vector.extract_strided_slice %get3A_4 {offsets = [0, 0], sizes = [2048, 64], strides = [1, 1]} : vector<2048x128xf32> to vector<2048x64xf32>
    %broadcast_in_dim3A = vector.shape_cast %ne3A_9 : vector<2048x1xi1> to vector<2048x1xi1>
    %broadcast_in_dim3A_11 = vector.broadcast %broadcast_in_dim3A : vector<2048x1xi1> to vector<2048x64xi1>
    %select_n3A = arith.select %broadcast_in_dim3A_11, %slice3A, %slice3A_10 : vector<2048x64xi1>, vector<2048x64xf32>
    %get3A_12 = arith.constant 0 : index
    %get3A_13 = arith.constant 0 : index
    %get3A_14 = vector.load %arg2[%get3A_12, %get3A_13] : memref<2048x128xf32, #tpu.memory_space<vmem>>, vector<2048x128xf32>
    %get3A_15 = arith.constant 0 : index
    %get3A_16 = arith.constant 0 : index
    %get3A_17 = vector.load %arg5[%get3A_15, %get3A_16] : memref<2048x1xi32, #tpu.memory_space<vmem>>, vector<2048x1xi32>
    %ne3A_18 = arith.constant 0 : i32
    %ne3A_19 = vector.broadcast %ne3A_18 : i32 to vector<2048x1xi32>
    %ne3A_20 = arith.cmpi ne, %get3A_17, %ne3A_19 : vector<2048x1xi32>
    %slice3A_21 = vector.extract_strided_slice %get3A_14 {offsets = [0, 64], sizes = [2048, 64], strides = [1, 1]} : vector<2048x128xf32> to vector<2048x64xf32>
    %slice3A_22 = vector.extract_strided_slice %get3A_14 {offsets = [0, 0], sizes = [2048, 64], strides = [1, 1]} : vector<2048x128xf32> to vector<2048x64xf32>
    %broadcast_in_dim3A_23 = vector.shape_cast %ne3A_20 : vector<2048x1xi1> to vector<2048x1xi1>
    %broadcast_in_dim3A_24 = vector.broadcast %broadcast_in_dim3A_23 : vector<2048x1xi1> to vector<2048x64xi1>
    %select_n3A_25 = arith.select %broadcast_in_dim3A_24, %slice3A_21, %slice3A_22 : vector<2048x64xi1>, vector<2048x64xf32>
    %get3A_26 = arith.constant 0 : index
    %get3A_27 = arith.constant 0 : index
    %get3A_28 = vector.load %arg3[%get3A_26, %get3A_27] : memref<2048x128xf32, #tpu.memory_space<vmem>>, vector<2048x128xf32>
    %get3A_29 = arith.constant 0 : index
    %get3A_30 = arith.constant 0 : index
    %get3A_31 = vector.load %arg6[%get3A_29, %get3A_30] : memref<2048x1xi32, #tpu.memory_space<vmem>>, vector<2048x1xi32>
    %ne3A_32 = arith.constant 0 : i32
    %ne3A_33 = vector.broadcast %ne3A_32 : i32 to vector<2048x1xi32>
    %ne3A_34 = arith.cmpi ne, %get3A_31, %ne3A_33 : vector<2048x1xi32>
    %slice3A_35 = vector.extract_strided_slice %get3A_28 {offsets = [0, 64], sizes = [2048, 64], strides = [1, 1]} : vector<2048x128xf32> to vector<2048x64xf32>
    %slice3A_36 = vector.extract_strided_slice %get3A_28 {offsets = [0, 0], sizes = [2048, 64], strides = [1, 1]} : vector<2048x128xf32> to vector<2048x64xf32>
    %broadcast_in_dim3A_37 = vector.shape_cast %ne3A_34 : vector<2048x1xi1> to vector<2048x1xi1>
    %broadcast_in_dim3A_38 = vector.broadcast %broadcast_in_dim3A_37 : vector<2048x1xi1> to vector<2048x64xi1>
    %select_n3A_39 = arith.select %broadcast_in_dim3A_38, %slice3A_35, %slice3A_36 : vector<2048x64xi1>, vector<2048x64xf32>
    %slice3A_40 = vector.extract_strided_slice %get3A_1 {offsets = [0, 0], sizes = [64, 128], strides = [1, 1]} : vector<192x128xf32> to vector<64x128xf32>
    %dot_general3A = arith.constant dense<0.000000e+00> : vector<2048x128xf32>
    %dot_general3A_41 = tpu.matmul %select_n3A, %slice3A_40, %dot_general3A {dimension_numbers = #tpu.dot_dimension_numbers<[1], [0], [0], [1], [0, 0, 1, 1], [], []>, transpose_lhs_hint = false} : vector<2048x64xf32>, vector<64x128xf32>, vector<2048x128xf32> -> vector<2048x128xf32>
    %slice3A_42 = vector.extract_strided_slice %get3A_1 {offsets = [64, 0], sizes = [64, 128], strides = [1, 1]} : vector<192x128xf32> to vector<64x128xf32>
    %dot_general3A_43 = arith.constant dense<0.000000e+00> : vector<2048x128xf32>
    %dot_general3A_44 = tpu.matmul %select_n3A_25, %slice3A_42, %dot_general3A_43 {dimension_numbers = #tpu.dot_dimension_numbers<[1], [0], [0], [1], [0, 0, 1, 1], [], []>, transpose_lhs_hint = false} : vector<2048x64xf32>, vector<64x128xf32>, vector<2048x128xf32> -> vector<2048x128xf32>
    %add3A = arith.addf %dot_general3A_41, %dot_general3A_44 : vector<2048x128xf32>
    %slice3A_45 = vector.extract_strided_slice %get3A_1 {offsets = [128, 0], sizes = [64, 128], strides = [1, 1]} : vector<192x128xf32> to vector<64x128xf32>
    %dot_general3A_46 = arith.constant dense<0.000000e+00> : vector<2048x128xf32>
    %dot_general3A_47 = tpu.matmul %select_n3A_39, %slice3A_45, %dot_general3A_46 {dimension_numbers = #tpu.dot_dimension_numbers<[1], [0], [0], [1], [0, 0, 1, 1], [], []>, transpose_lhs_hint = false} : vector<2048x64xf32>, vector<64x128xf32>, vector<2048x128xf32> -> vector<2048x128xf32>
    %add3A_48 = arith.addf %add3A, %dot_general3A_47 : vector<2048x128xf32>
    %get3A_49 = arith.constant 0 : index
    %get3A_50 = arith.constant 0 : index
    %get3A_51 = vector.load %arg8[%get3A_49, %get3A_50] : memref<1x128xf32, #tpu.memory_space<vmem>>, vector<1x128xf32>
    %add3A_52 = vector.broadcast %get3A_51 : vector<1x128xf32> to vector<2048x128xf32>
    %add3A_53 = arith.addf %add3A_48, %add3A_52 : vector<2048x128xf32>
    %reduce_sum3A = arith.constant dense<0.000000e+00> : vector<2048xf32>
    %reduce_sum3A_54 = vector.multi_reduction <add>, %add3A_53, %reduce_sum3A [1] : vector<2048x128xf32> to vector<2048xf32>
    %broadcast_in_dim3A_55 = vector.shape_cast %reduce_sum3A_54 : vector<2048xf32> to vector<2048x1xf32>
    %div3A = arith.constant 1.280000e+02 : f32
    %div3A_56 = vector.broadcast %div3A : f32 to vector<2048x1xf32>
    %div3A_57 = arith.divf %broadcast_in_dim3A_55, %div3A_56 : vector<2048x1xf32>
    %sub3A = vector.broadcast %div3A_57 : vector<2048x1xf32> to vector<2048x128xf32>
    %sub3A_58 = arith.subf %add3A_53, %sub3A : vector<2048x128xf32>
    %sub3A_59 = vector.broadcast %div3A_57 : vector<2048x1xf32> to vector<2048x128xf32>
    %sub3A_60 = arith.subf %add3A_53, %sub3A_59 : vector<2048x128xf32>
    %mul3A = arith.mulf %sub3A_58, %sub3A_60 : vector<2048x128xf32>
    %reduce_sum3A_61 = arith.constant dense<0.000000e+00> : vector<2048xf32>
    %reduce_sum3A_62 = vector.multi_reduction <add>, %mul3A, %reduce_sum3A_61 [1] : vector<2048x128xf32> to vector<2048xf32>
    %broadcast_in_dim3A_63 = vector.shape_cast %reduce_sum3A_62 : vector<2048xf32> to vector<2048x1xf32>
    %div3A_64 = arith.constant 1.280000e+02 : f32
    %div3A_65 = vector.broadcast %div3A_64 : f32 to vector<2048x1xf32>
    %div3A_66 = arith.divf %broadcast_in_dim3A_63, %div3A_65 : vector<2048x1xf32>
    %sub3A_67 = vector.broadcast %div3A_57 : vector<2048x1xf32> to vector<2048x128xf32>
    %sub3A_68 = arith.subf %add3A_53, %sub3A_67 : vector<2048x128xf32>
    %add3A_69 = arith.constant 9.99999974E-6 : f32
    %add3A_70 = vector.broadcast %add3A_69 : f32 to vector<2048x1xf32>
    %add3A_71 = arith.addf %div3A_66, %add3A_70 : vector<2048x1xf32>
    %rsqrt3A = math.rsqrt %add3A_71 : vector<2048x1xf32>
    %mul3A_72 = vector.broadcast %rsqrt3A : vector<2048x1xf32> to vector<2048x128xf32>
    %mul3A_73 = arith.mulf %sub3A_68, %mul3A_72 : vector<2048x128xf32>
    %mul3A_74 = arith.constant 5.000000e-01 : f32
    %mul3A_75 = vector.broadcast %mul3A_74 : f32 to vector<2048x128xf32>
    %mul3A_76 = arith.mulf %mul3A_75, %mul3A_73 : vector<2048x128xf32>
    %mul3A_77 = arith.constant 0.707106769 : f32
    %mul3A_78 = vector.broadcast %mul3A_77 : f32 to vector<2048x128xf32>
    %mul3A_79 = arith.mulf %mul3A_73, %mul3A_78 : vector<2048x128xf32>
    %erf3A = math.erf %mul3A_79 : vector<2048x128xf32>
    %add3A_80 = arith.constant 1.000000e+00 : f32
    %add3A_81 = vector.broadcast %add3A_80 : f32 to vector<2048x128xf32>
    %add3A_82 = arith.addf %add3A_81, %erf3A : vector<2048x128xf32>
    %mul3A_83 = arith.mulf %mul3A_76, %add3A_82 : vector<2048x128xf32>
    %get3A_84 = arith.constant 0 : index
    %get3A_85 = arith.constant 0 : index
    %get3A_86 = vector.load %arg9[%get3A_84, %get3A_85] : memref<128x64xf32, #tpu.memory_space<vmem>>, vector<128x64xf32>
    %dot_general3A_87 = arith.constant dense<0.000000e+00> : vector<2048x64xf32>
    %dot_general3A_88 = tpu.matmul %mul3A_83, %get3A_86, %dot_general3A_87 {dimension_numbers = #tpu.dot_dimension_numbers<[1], [0], [0], [1], [0, 0, 1, 1], [], []>, transpose_lhs_hint = false} : vector<2048x128xf32>, vector<128x64xf32>, vector<2048x64xf32> -> vector<2048x64xf32>
    %get3A_89 = arith.constant 0 : index
    %get3A_90 = arith.constant 0 : index
    %get3A_91 = vector.load %arg10[%get3A_89, %get3A_90] : memref<1x64xf32, #tpu.memory_space<vmem>>, vector<1x64xf32>
    %add3A_92 = vector.broadcast %get3A_91 : vector<1x64xf32> to vector<2048x64xf32>
    %add3A_93 = arith.addf %dot_general3A_88, %add3A_92 : vector<2048x64xf32>
    %reduce_sum3A_94 = arith.constant dense<0.000000e+00> : vector<2048xf32>
    %reduce_sum3A_95 = vector.multi_reduction <add>, %add3A_93, %reduce_sum3A_94 [1] : vector<2048x64xf32> to vector<2048xf32>
    %broadcast_in_dim3A_96 = vector.shape_cast %reduce_sum3A_95 : vector<2048xf32> to vector<2048x1xf32>
    %div3A_97 = arith.constant 6.400000e+01 : f32
    %div3A_98 = vector.broadcast %div3A_97 : f32 to vector<2048x1xf32>
    %div3A_99 = arith.divf %broadcast_in_dim3A_96, %div3A_98 : vector<2048x1xf32>
    %sub3A_100 = vector.broadcast %div3A_99 : vector<2048x1xf32> to vector<2048x64xf32>
    %sub3A_101 = arith.subf %add3A_93, %sub3A_100 : vector<2048x64xf32>
    %sub3A_102 = vector.broadcast %div3A_99 : vector<2048x1xf32> to vector<2048x64xf32>
    %sub3A_103 = arith.subf %add3A_93, %sub3A_102 : vector<2048x64xf32>
    %mul3A_104 = arith.mulf %sub3A_101, %sub3A_103 : vector<2048x64xf32>
    %reduce_sum3A_105 = arith.constant dense<0.000000e+00> : vector<2048xf32>
    %reduce_sum3A_106 = vector.multi_reduction <add>, %mul3A_104, %reduce_sum3A_105 [1] : vector<2048x64xf32> to vector<2048xf32>
    %broadcast_in_dim3A_107 = vector.shape_cast %reduce_sum3A_106 : vector<2048xf32> to vector<2048x1xf32>
    %div3A_108 = arith.constant 6.400000e+01 : f32
    %div3A_109 = vector.broadcast %div3A_108 : f32 to vector<2048x1xf32>
    %div3A_110 = arith.divf %broadcast_in_dim3A_107, %div3A_109 : vector<2048x1xf32>
    %sub3A_111 = vector.broadcast %div3A_99 : vector<2048x1xf32> to vector<2048x64xf32>
    %sub3A_112 = arith.subf %add3A_93, %sub3A_111 : vector<2048x64xf32>
    %add3A_113 = arith.constant 9.99999974E-6 : f32
    %add3A_114 = vector.broadcast %add3A_113 : f32 to vector<2048x1xf32>
    %add3A_115 = arith.addf %div3A_110, %add3A_114 : vector<2048x1xf32>
    %rsqrt3A_116 = math.rsqrt %add3A_115 : vector<2048x1xf32>
    %mul3A_117 = vector.broadcast %rsqrt3A_116 : vector<2048x1xf32> to vector<2048x64xf32>
    %mul3A_118 = arith.mulf %sub3A_112, %mul3A_117 : vector<2048x64xf32>
    %mul3A_119 = arith.constant 5.000000e-01 : f32
    %mul3A_120 = vector.broadcast %mul3A_119 : f32 to vector<2048x64xf32>
    %mul3A_121 = arith.mulf %mul3A_120, %mul3A_118 : vector<2048x64xf32>
    %mul3A_122 = arith.constant 0.707106769 : f32
    %mul3A_123 = vector.broadcast %mul3A_122 : f32 to vector<2048x64xf32>
    %mul3A_124 = arith.mulf %mul3A_118, %mul3A_123 : vector<2048x64xf32>
    %erf3A_125 = math.erf %mul3A_124 : vector<2048x64xf32>
    %add3A_126 = arith.constant 1.000000e+00 : f32
    %add3A_127 = vector.broadcast %add3A_126 : f32 to vector<2048x64xf32>
    %add3A_128 = arith.addf %add3A_127, %erf3A_125 : vector<2048x64xf32>
    %mul3A_129 = arith.mulf %mul3A_121, %add3A_128 : vector<2048x64xf32>
    %get3A_130 = arith.constant 0 : index
    %get3A_131 = arith.constant 0 : index
    %get3A_132 = vector.load %arg11[%get3A_130, %get3A_131] : memref<64x128xf32, #tpu.memory_space<vmem>>, vector<64x128xf32>
    %dot_general3A_133 = arith.constant dense<0.000000e+00> : vector<2048x128xf32>
    %dot_general3A_134 = tpu.matmul %mul3A_129, %get3A_132, %dot_general3A_133 {dimension_numbers = #tpu.dot_dimension_numbers<[1], [0], [0], [1], [0, 0, 1, 1], [], []>, transpose_lhs_hint = false} : vector<2048x64xf32>, vector<64x128xf32>, vector<2048x128xf32> -> vector<2048x128xf32>
    %get3A_135 = arith.constant 0 : index
    %get3A_136 = arith.constant 0 : index
    %get3A_137 = vector.load %arg12[%get3A_135, %get3A_136] : memref<1x128xf32, #tpu.memory_space<vmem>>, vector<1x128xf32>
    %add3A_138 = vector.broadcast %get3A_137 : vector<1x128xf32> to vector<2048x128xf32>
    %add3A_139 = arith.addf %dot_general3A_134, %add3A_138 : vector<2048x128xf32>
    %mul3A_140 = arith.constant 5.000000e-01 : f32
    %mul3A_141 = vector.broadcast %mul3A_140 : f32 to vector<2048x128xf32>
    %mul3A_142 = arith.mulf %mul3A_141, %add3A_139 : vector<2048x128xf32>
    %mul3A_143 = arith.constant 0.707106769 : f32
    %mul3A_144 = vector.broadcast %mul3A_143 : f32 to vector<2048x128xf32>
    %mul3A_145 = arith.mulf %add3A_139, %mul3A_144 : vector<2048x128xf32>
    %erf3A_146 = math.erf %mul3A_145 : vector<2048x128xf32>
    %add3A_147 = arith.constant 1.000000e+00 : f32
    %add3A_148 = vector.broadcast %add3A_147 : f32 to vector<2048x128xf32>
    %add3A_149 = arith.addf %add3A_148, %erf3A_146 : vector<2048x128xf32>
    %mul3A_150 = arith.mulf %mul3A_142, %add3A_149 : vector<2048x128xf32>
    %swap3A = arith.constant 0 : index
    %swap3A_151 = arith.constant 0 : index
    %swap3A_152 = vector.load %arg13[%swap3A, %swap3A_151] : memref<2048x128xf32, #tpu.memory_space<vmem>>, vector<2048x128xf32>
    tpu.vector_store %arg13[%swap3A, %swap3A_151], %mul3A_150 {strides = array<i32>} : memref<2048x128xf32, #tpu.memory_space<vmem>>, vector<2048x128xf32>,
    return
  }
  func.func @transform_0(%arg0: i32) -> (i32, i32) {
    %c0_i32 = arith.constant 0 : i32
    %c0_i32_0 = arith.constant 0 : i32
    return %arg0, %c0_i32 : i32, i32
  }
  func.func @transform_1(%arg0: i32) -> (i32, i32) {
    %c0_i32 = arith.constant 0 : i32
    %c0_i32_0 = arith.constant 0 : i32
    return %arg0, %c0_i32 : i32, i32
  }
  func.func @transform_2(%arg0: i32) -> (i32, i32) {
    %c0_i32 = arith.constant 0 : i32
    %c0_i32_0 = arith.constant 0 : i32
    return %arg0, %c0_i32 : i32, i32
  }
  func.func @transform_3(%arg0: i32) -> (i32, i32) {
    %c0_i32 = arith.constant 0 : i32
    %c0_i32_0 = arith.constant 0 : i32
    return %arg0, %c0_i32 : i32, i32
  }
  func.func @transform_4(%arg0: i32) -> (i32, i32) {
    %c0_i32 = arith.constant 0 : i32
    %c0_i32_0 = arith.constant 0 : i32
    return %arg0, %c0_i32 : i32, i32
  }
  func.func @transform_5(%arg0: i32) -> (i32, i32) {
    %c0_i32 = arith.constant 0 : i32
    %c0_i32_0 = arith.constant 0 : i32
    return %arg0, %c0_i32 : i32, i32
  }
  func.func @transform_6(%arg0: i32) -> (i32, i32) {
    %c0_i32 = arith.constant 0 : i32
    %c0_i32_0 = arith.constant 0 : i32
    %c0_i32_1 = arith.constant 0 : i32
    return %c0_i32, %c0_i32_0 : i32, i32
  }
  func.func @transform_7(%arg0: i32) -> (i32, i32) {
    %c0_i32 = arith.constant 0 : i32
    %c0_i32_0 = arith.constant 0 : i32
    %c0_i32_1 = arith.constant 0 : i32
    return %c0_i32, %c0_i32_0 : i32, i32
  }
  func.func @transform_8(%arg0: i32) -> (i32, i32) {
    %c0_i32 = arith.constant 0 : i32
    %c0_i32_0 = arith.constant 0 : i32
    %c0_i32_1 = arith.constant 0 : i32
    return %c0_i32, %c0_i32_0 : i32, i32
  }
  func.func @transform_9(%arg0: i32) -> (i32, i32) {
    %c0_i32 = arith.constant 0 : i32
    %c0_i32_0 = arith.constant 0 : i32
    %c0_i32_1 = arith.constant 0 : i32
    return %c0_i32, %c0_i32_0 : i32, i32
  }
  func.func @transform_10(%arg0: i32) -> (i32, i32) {
    %c0_i32 = arith.constant 0 : i32
    %c0_i32_0 = arith.constant 0 : i32
    %c0_i32_1 = arith.constant 0 : i32
    return %c0_i32, %c0_i32_0 : i32, i32
  }
  func.func @transform_11(%arg0: i32) -> (i32, i32) {
    %c0_i32 = arith.constant 0 : i32
    %c0_i32_0 = arith.constant 0 : i32
    %c0_i32_1 = arith.constant 0 : i32
    return %c0_i32, %c0_i32_0 : i32, i32
  }
  func.func @transform_12(%arg0: i32) -> (i32, i32) {
    %c0_i32 = arith.constant 0 : i32
    %c0_i32_0 = arith.constant 0 : i32
    return %arg0, %c0_i32 : i32, i32
  }
}

</mosaic_0001>

<sc_bundles>
// kernel: kernel.11.cloned.1.call-start
scs
__scs_entry_jumppad:
0x0: {  	(pc) =	sbr.rel $0x88, $3  }
0x1: {  	(tag) =	ssettag $0x0;
	lr =	simm.s32 $0x1  }
0x2: {  	[smem:$0x3F95] =	sst lr;
	_ =	strace $0xD0000000  }
0x3: {  	_ = 	snop  }
0x4: {  	_ = 	snop  }
0x5: {  	_ = 	snop  }
0x6: {  	_ = 	snop  }
0x7: {  	_ = 	snop  }
__scs_overlays_trampoline_lowered:
0x8: {  	[smem:$0x3FA4] =	sst s0  }
0x9: {  	[smem:$0x3FA5] =	sst s1  }
0xa: {  	[smem:$0x3FA6] =	sst s2  }
0xb: {  	[smem:$0x3FA7] =	sst s3  }
0xc: {  	[smem:$0x3FA8] =	sst s4  }
0xd: {  	[smem:$0x3FA9] =	sst s5  }
0xe: {  	[smem:$0x3FAA] =	sst s6  }
0xf: {  	[smem:$0x3FAB] =	sst s7  }
0x10: {  	[smem:$0x3FAC] =	sst s8  }
0x11: {  	[smem:$0x3FAD] =	sst s9;
	s0 =	simm.s32 @!p0 $0x0  }
0x12: {  	s1 =	sld [smem:$0x3F93];
	s0 =	simm.s32 @p0 $0x1  }
0x13: {  	[smem:$0x3FAE] =	sst s0;
	s0 =	simm.s32 @!p1 $0x0  }
0x14: {  	s2 =	sld [smem:$0x3F92];
	s0 =	simm.s32 @p1 $0x1  }
0x15: {  	[smem:$0x3FAF] =	sst s0;
	s0 =	simm.s32 @!p2 $0x0  }
0x16: {  	s3 =	sld [smem:$0x3FDB];
	s0 =	simm.s32 @p2 $0x1  }
0x17: {  	s4 =	simm.s32 $0x1BF5;
	[smem:$0x3FB1] =	sst s0  }
0x18: {  	s0 =	sld [smem:$0x3F94];
	_ =	swait.ge [sflag:s4], $0x0  }
0x19: {  	s7 =	sld [smem:$0x3F95]  }
0x1a: {  	s8 =	sadd.s32 $0xFFFFE003, lr  }
0x1b: {  	s9 =	sadd.s32 $0xFFFFFEF7, lr;
	s5 =	simm.s32 $0xFFFFFFFF;
	p2 =	slt.u32 s8, $0xFFFFF086  }
0x1c: {  	p1 =	slt.u32 s9, $0xF7A;
	s5 =	simm.s32 @!p2 $0x0  }
0x1d: {  	s5 =	simm.s32 @p1 $0x1;
	p0 =	seq.s32 s7, s2  }
0x1e: {  	s7 =	smul.u32 @!p0 $0xF7A, s2;
	p2 =	seq.s32 @!p0 s5, $0x0  }
0x1f: {  	s9 =	smul.u32 $0xF7A, s1;
	s8 =	simm.s32 @!p0 $0x1BF5;
	p2 =	por !p2, p0  }
0x20: {  	[sflag:s8] =	ssyncset.s32 @!p0 $0xFFFFF086;
	s6 =	sadd.s32 @!p0 s3, s7;
	s7 =	simm.s32 @!p0 $0x108  }
0x21: {  	s3 =	sadd.s32 s3, s9;
	s6 =	sadd.s32 @!p0 $0x88, s6;
	s7 =	simm.s32 @p2 $0x1082  }
0x22: {  	[simem:s7], [sflag:s8] =	dma.local @!p0 [hbm:s6], $0xF7A  }
0x23: {  	s9 =	sor.u32 $0xD0000000, s2;
	s6 =	simm.s32 $0x108;
	_ =	swait.ge @!p0 [sflag:s8], $0x0  }
0x24: {  	s3 =	sadd.s32 $0x88, s3;
	s6 =	simm.s32 @!p1 $0x1082;
	[sflag:s4] =	ssyncset.s32 $0xFFFFF086  }
0x25: {  	[simem:s6], [sflag:s4] =	dma.local [hbm:s3], $0xF7A  }
0x26: {  	[smem:$0x3F95] =	sst s1;
	(tag) =	ssettag s2;
	_ =	strace s9  }
0x27: {  	s1 =	sld [smem:$0x3FA5]  }
0x28: {  	s2 =	sld [smem:$0x3FA6]  }
0x29: {  	s4 =	sld [smem:$0x3FA8]  }
0x2a: {  	p0 =	seq.s32 s5, $0x0;
	s5 =	sld [smem:$0x3FA9]  }
0x2b: {  	s6 =	sld [smem:$0x3FAA]  }
0x2c: {  	s7 =	sld [smem:$0x3FAB]  }
0x2d: {  	s3 =	simm.s32 $0x108;
	s8 =	sld [smem:$0x3FAC]  }
0x2e: {  	s3 =	simm.s32 @!p0 $0x1082;
	s9 =	sld [smem:$0x3FAD]  }
0x2f: {  	lr =	sadd.s32 s0, s3;
	s0 =	sld [smem:$0x3FA4]  }
0x30: {  	s3 =	sld [smem:$0x3FA7]  }
0x31: {  	[smem:$0x3FB0] =	sst s10  }
0x32: {  	s10 =	sld [smem:$0x3FAE];
	_ =	sdelay $0x3  }
0x33: {  	p0 =	seq.s32 s10, $0x1;
	s10 =	sld [smem:$0x3FB0];
	_ =	sdelay $0x3  }
0x34: {  	[smem:$0x3FB0] =	sst s10  }
0x35: {  	s10 =	sld [smem:$0x3FAF];
	_ =	sdelay $0x3  }
0x36: {  	p1 =	seq.s32 s10, $0x1;
	s10 =	sld [smem:$0x3FB0];
	_ =	sdelay $0x3  }
0x37: {  	[smem:$0x3FB0] =	sst s10  }
0x38: {  	s10 =	sld [smem:$0x3FB1]  }
0x39: {  	_ = 	snop;
	(pc) =	sbr.ind lr, $3  }
0x3a: {  	_ = 	snop  }
0x3b: {  	_ = 	snop  }
0x3c: {  	p2 =	seq.s32 s10, $0x1;
	s10 =	sld [smem:$0x3FB0]  }
0x3d: {  	_ =	shalt  }
0x3e: {  	_ =	shalt  }
0x3f: {  	_ =	shalt  }
0x40: {  	_ =	shalt  }
0x41: {  	_ =	shalt  }
0x42: {  	_ =	shalt  }
0x43: {  	_ =	shalt  }
0x44: {  	_ =	shalt  }
0x45: {  	_ =	shalt  }
0x46: {  	_ =	shalt  }
0x47: {  	_ =	shalt  }
0x48: {  	_ =	shalt  }
0x49: {  	_ =	shalt  }
0x4a: {  	_ =	shalt  }
0x4b: {  	_ =	shalt  }
0x4c: {  	_ =	shalt  }
0x4d: {  	_ =	shalt  }
0x4e: {  	_ =	shalt  }
0x4f: {  	_ =	shalt  }
0x50: {  	_ =	shalt  }
0x51: {  	_ =	shalt  }
0x52: {  	_ =	shalt  }
0x53: {  	_ =	shalt  }
0x54: {  	_ =	shalt  }
0x55: {  	_ =	shalt  }
0x56: {  	_ =	shalt  }
0x57: {  	_ =	shalt  }
0x58: {  	_ =	shalt  }
0x59: {  	_ =	shalt  }
0x5a: {  	_ =	shalt  }
0x5b: {  	_ =	shalt  }
0x5c: {  	_ =	shalt  }
0x5d: {  	_ =	shalt  }
0x5e: {  	_ =	shalt  }
0x5f: {  	_ =	shalt  }
0x60: {  	_ =	shalt  }
0x61: {  	_ =	shalt  }
0x62: {  	_ =	shalt  }
0x63: {  	_ =	shalt  }
0x64: {  	_ =	shalt  }
0x65: {  	_ =	shalt  }
0x66: {  	_ =	shalt  }
0x67: {  	_ =	shalt  }
0x68: {  	_ =	shalt  }
0x69: {  	_ =	shalt  }
0x6a: {  	_ =	shalt  }
0x6b: {  	_ =	shalt  }
0x6c: {  	_ =	shalt  }
0x6d: {  	_ =	shalt  }
0x6e: {  	_ =	shalt  }
0x6f: {  	_ =	shalt  }
0x70: {  	_ =	shalt  }
0x71: {  	_ =	shalt  }
0x72: {  	_ =	shalt  }
0x73: {  	_ =	shalt  }
0x74: {  	_ =	shalt  }
0x75: {  	_ =	shalt  }
0x76: {  	_ =	shalt  }
0x77: {  	_ =	shalt  }
0x78: {  	_ =	shalt  }
0x79: {  	_ =	shalt  }
0x7a: {  	_ =	shalt  }
0x7b: {  	_ =	shalt  }
0x7c: {  	_ =	shalt  }
0x7d: {  	_ =	shalt  }
0x7e: {  	_ =	shalt  }
0x7f: {  	_ =	shalt  }
0x80: {  	_ =	shalt  }
0x81: {  	_ =	shalt  }
0x82: {  	_ =	shalt  }
0x83: {  	_ =	shalt  }
0x84: {  	_ =	shalt  }
0x85: {  	_ =	shalt  }
0x86: {  	_ =	shalt  }
0x87: {  	_ =	shalt  }
.Lfunc_end0:
.L_simem_size_0:
called_computation.1_lowered:
.L_overlay_start_0:
0x88: {  	s2 =	sld [smem:$0x3FD9]  }
0x89: {  	s3 =	sld [smem:$0x3FFE];
	_ =	sdelay $0x1  }
0x8a: {  	s1 =	srdreg.scid  }
0x8b: {  	s0 =	sand.u32 $0x1, s1  }
0x8c: {  	s16 =	sshll.u32 s0, $0xA;
	s2 =	sadd.s32 s3, s2  }
0x8d: {  	s2 =	sadd.s32 s2, s16  }
0x8e: {  	[smem:$0x3FBC] =	sst s2  }
0x8f: {  	_ = 	snop  }
0x90: {  	(tm) =	ssettm $0x1  }
0x91: {  	s17 =	sld [smem:$0x3FFB];
	_ =	sdelay $0x3  }
0x92: {  	_ =	strace s17  }
0x93: {  	s2 =	sld [smem:$0x3FFC];
	_ =	sdelay $0x3  }
0x94: {  	_ =	strace s2  }
0x95: {  	s2 =	sld [smem:$0x3FFD];
	_ =	sdelay $0x3  }
0x96: {  	_ =	strace s2  }
0x97: {  	_ =	strace $0x8FFFFFFF  }
0x98: {  	s18 =	sld [smem:$0x3FDB];
	_ =	sdelay $0x1  }
0x99: {  	s19 =	simm.s32 $_scs_section_size  }
0x9a: {  	s4 =	simm.s32 $_size__tile_overlayer_lowered;
	s5 =	simm.s32 $_tile_overlayer_lowered  }
0x9b: {  	s22 =	simm.s32 $0x1BFF;
	s21 =	sshll.u32 s5, $0x1;
	s2 =	sadd.s32 s19, s18  }
0x9c: {  	s6 =	simm.s32 $0x0;
	s20 =	sshll.u32 s4, $0x1;
	s4 =	sadd.s32 s21, s2  }
0x9d: {  	[timem:s6], [sflag:s22] =	dma.local [hbm:s4], s20  }
0x9e: {  	_ =	swait.ge [sflag:s22], s20  }
0x9f: {  	s3 =	ssub.s32 $0x0, s20;
	[sflag:s22] =	ssyncset.done $0x0  }
0xa0: {  	[sflag:s22] =	ssyncadd.s32 s3;
	_ =	sdelay $0x1  }
0xa1: {  	s23 =	simm.s32 $0x1B8B  }
0xa2: {  	_ =	swait.ge [sflag:s23], $0x1  }
0xa3: {  	[sflag:s23] =	ssyncset.done $0x0  }
0xa4: {  	s25 =	simm.s32 $0x1B8E;
	s24 =	sld [smem:$0x3FFE];
	[sflag:s23] =	ssyncadd.s32 $0xFFFFFFFF  }
0xa5: {  	s26 =	simm.s32 $execute0_lowered;
	[smem:$0x3FD2] =	sst s25  }
0xa6: {  	s4 =	sshll.u32 s26, $0x1;
	_ =	strace $0x80000046;
	[dreg:$0x1] =	wrdreg $0xFFFFFFFF  }
0xa7: {  	s28 =	simm.s32 $_size_execute0_lowered;
	s2 =	sadd.s32 s2, s4;
	[dreg:$0x0] =	wrdreg $0x0  }
0xa8: {  	s4 =	sshll.u32 s28, $0x1;
	[dreg:$0x2] =	wrdreg s2  }
0xa9: {  	[dreg:$0x3] =	wrdreg s4  }
0xaa: {  	[dreg:$0x4] =	wrdreg $0xC0  }
0xab: {  	_ =	task [dreg:s6], $0x5FFFF  }
0xac: {  	[dreg:$0x1] =	wrdreg $0xFFFFFFFF  }
0xad: {  	[dreg:$0x0] =	wrdreg $0x60  }
0xae: {  	[dreg:$0x2] =	wrdreg s24  }
0xaf: {  	[dreg:$0x3] =	wrdreg $0xA  }
0xb0: {  	_ =	task.clear_ibuf [dreg:s6], $0x4FFFF;
	_ =	strace $0x90000046  }
0xb1: {  	s29 =	simm.s32 $0xA;
	_ =	strace $0x80000048  }
0xb2: {  	_ =	swait.ge [sflag:s29], $0x1  }
0xb3: {  	[sflag:s29] =	ssyncadd.s32 $0xFFFFFFFF  }
0xb4: {  	_ =	strace $0x90000048  }
0xb5: {  	_ =	sfence  }
0xb6: {  	s30 =	sld [smem:$0x0];
	_ =	sdelay $0x2  }
0xb7: {  	s31 =	sshll.u32 s1, $0xD;
	s1 =	sshrl.u32 s1, $0x2  }
0xb8: {  	s3 =	sand.u32 $0x4000, s31;
	s1 =	sadd.s32 s1, s30  }
0xb9: {  	s0 =	sor.u32 s3, s0;
	s1 =	sshll.u32 s1, $0x11  }
0xba: {  	s0 =	sor.u32 s1, s0  }
0xbb: {  	s0 =	sadd.s32 $0x8F2B, s0  }
0xbc: {  	[sflag:s0] =	ssyncadd.remote.s32 $0x1  }
0xbd: {  	_ =	sfence.sel $0xFFFF  }
0xbe: {  	[dreg:$0x0] =	wrdreg $0xFFFFFFFF;
	(pc) =	sbr.abs _section_cstart, $3  }
0xbf: {  	[dreg:$0x1] =	wrdreg $0xFFFFFFFF  }
0xc0: {  	_ =	task.clear_ibuf [dreg:s6], $0x2FFFF;
	_ =	strace $0x9FFFFFFF  }
0xc1: {  	(tm) =	ssettm $0x7FFFFFFF  }
tec
execute0_lowered:
.L_overlay_start_1:
0x0: {  	(tag) =	ssettag $0x1  }
0x1: {  	s1 =	srdreg.scid  }
0x2: {  	s0 =	stileid.u32;
	s16 =	sand.u32 $0x1, s1  }
0x3: {  	s30 =	sshll.u32 s0, $0xA;
	s2 =	sshll.u32 s16, $0x9  }
0x4: {  	s10 =	sor.u32 s2, s30  }
0x5: {  	s9 =	rddreg [dreg:$0x0];
	s2 =	simm.s32 $0x0;
	s3 =	sshrl.u32 s10, $0x3  }
0x6: {  	s4 =	simm.s32 $0x3;
	[smem:$0x7FF] =	sst s2;
	s3 =	sadd.s32 s3, s9  }
0x7: {  	s1 =	rddreg [dreg:$0x1];
	_ =	strace $0x80000047;
	s3 =	sadd.s32 $0x2600, s3  }
0x8: {  	[tilespmem:s2], [sflag:$0x3] =	stream.linear.gather [hbm4b:s3+s2], $0x200, $0x38;
	[tilespmem:$0x8200] =	vst v63  }
0x9: {  	_ =	swait.ge [sflag:s4], $0x200  }
0xa: {  	s6 =	simm.s32 $0x80;
	s7 =	simm.s32 $0x200;
	[sflag:s4] =	ssyncset.done $0x0  }
0xb: {  	s8 =	simm.s32 $0x1;
	s5 =	sadd.s32 $0x2E00, s9;
	[sflag:s4] =	ssyncadd.s32 $0xFFFFFE00  }
0xc: {  	[tilespmem:s7], [sflag:$0x1] =	stream.indirect.gather [hbm4b:s5+s6], $0x80, s2, s6, $0xb8;
	[tilespmem:$0x8200] =	vst v63  }
0xd: {  	s10 =	sshll.u32 s10, $0x4;
	_ =	swait.ge [sflag:s8], $0x4000  }
0xe: {  	s17 =	sadd.s32 s10, s9;
	[sflag:s8] =	ssyncset.done $0x0  }
0xf: {  	s9 =	sadd.s32 $0x7C2E00, s17;
	[sflag:s8] =	ssyncadd.s32 $0xFFFFC000  }
0x10: {  	[hbm4b:s9+s2] =	stream.linear.scatter [tilespmem:s7], [sflag:$0x2], $0x4000, $0x38;
	[tilespmem:$0x8200] =	vst v63  }
0x11: {  	s10 =	simm.s32 $0x4200  }
0x12: {  	[tilespmem:s10], [sflag:$0x1] =	stream.indirect.gather [hbm4b:s5+s6], $0x80, s6, s6, $0xb8;
	[tilespmem:$0x8200] =	vst v63  }
0x13: {  	_ =	swait.ge [sflag:s8], $0x4000  }
0x14: {  	[sflag:s8] =	ssyncset.done $0x0  }
0x15: {  	s11 =	simm.s32 $0x2;
	s12 =	sadd.s32 $0x7C3600, s17;
	[sflag:s8] =	ssyncadd.s32 $0xFFFFC000  }
0x16: {  	[hbm4b:s12+s2] =	stream.linear.scatter [tilespmem:s10], [sflag:$0x2], $0x4000, $0x38;
	[tilespmem:$0x8200] =	vst v63  }
0x17: {  	_ =	swait.ge [sflag:s11], $0x4000  }
0x18: {  	[sflag:s11] =	ssyncset.done $0x0  }
0x19: {  	s13 =	simm.s32 $0x100;
	[sflag:s11] =	ssyncadd.s32 $0xFFFFC000  }
0x1a: {  	[tilespmem:s7], [sflag:$0x1] =	stream.indirect.gather [hbm4b:s5+s6], $0x80, s13, s6, $0xb8;
	[tilespmem:$0x8200] =	vst v63  }
0x1b: {  	_ =	swait.ge [sflag:s8], $0x4000  }
0x1c: {  	[sflag:s8] =	ssyncset.done $0x0  }
0x1d: {  	s14 =	sadd.s32 $0x7C3E00, s17;
	[sflag:s8] =	ssyncadd.s32 $0xFFFFC000  }
0x1e: {  	[hbm4b:s14+s2] =	stream.linear.scatter [tilespmem:s7], [sflag:$0x2], $0x4000, $0x38;
	[tilespmem:$0x8200] =	vst v63  }
0x1f: {  	_ =	swait.ge [sflag:s11], $0x4000  }
0x20: {  	s18 =	ssub.s32 $0x2, s16;
	[sflag:s11] =	ssyncset.done $0x0  }
0x21: {  	s15 =	simm.s32 $0x180;
	s31 =	sshrl.u32 s18, $0x1;
	[sflag:s11] =	ssyncadd.s32 $0xFFFFC000  }
0x22: {  	[tilespmem:s10], [sflag:$0x1] =	stream.indirect.gather [hbm4b:s5+s6], $0x80, s15, s6, $0xb8;
	[tilespmem:$0x8200] =	vst v63  }
0x23: {  	s16 =	sadd.s32 $0x7C4600, s17;
	s17 =	ssub.s32 s18, s31;
	_ =	swait.ge [sflag:s8], $0x4000  }
0x24: {  	s17 =	smax.u32 s17, $0x1;
	[sflag:s8] =	ssyncset.done $0x0  }
0x25: {  	p0 =	sne.s32 s17, $0x1;
	[sflag:s8] =	ssyncadd.s32 $0xFFFFC000  }
0x26: {  	[hbm4b:s16+s2] =	stream.linear.scatter [tilespmem:s10], [sflag:$0x2], $0x4000, $0x38;
	[tilespmem:$0x8200] =	vst v63  }
.Ltmp0:
0x27: {  	_ =	swait.ge [sflag:s11], $0x4000;
	(pc) =	sbr.rel @!p0 .LBB2_2-.Ltmp0, $4  }
0x28: {  	[sflag:s11] =	ssyncset.done $0x0  }
0x29: {  	[sflag:s11] =	ssyncadd.s32 $0xFFFFC000  }
0x2a: {  	_ =	swait.ge [sflag:s11], $0x4000  }
0x2b: {  	s17 =	sadd.s32 $0xFFFFFFFF, s17;
	[sflag:s11] =	ssyncset.done $0x0  }
.LBB2_1:
0x2c: {  	p0 =	sne.s32 s17, $0x1;
	s17 =	sadd.s32 $0xFFFFFFFF, s17;
	[sflag:s11] =	ssyncadd.s32 $0xFFFFC000  }
0x2d: {  	[tilespmem:s2], [sflag:$0x3] =	stream.linear.gather [hbm4b:s3+s2], $0x200, $0x38;
	[tilespmem:$0x8200] =	vst v63  }
0x2e: {  	_ =	swait.ge [sflag:s4], $0x200  }
0x2f: {  	[sflag:s4] =	ssyncset.done $0x0  }
0x30: {  	[sflag:s4] =	ssyncadd.s32 $0xFFFFFE00  }
0x31: {  	[tilespmem:s7], [sflag:$0x1] =	stream.indirect.gather [hbm4b:s5+s6], $0x80, s2, s6, $0xb8;
	[tilespmem:$0x8200] =	vst v63  }
0x32: {  	_ =	swait.ge [sflag:s8], $0x4000  }
0x33: {  	[sflag:s8] =	ssyncset.done $0x0  }
0x34: {  	[sflag:s8] =	ssyncadd.s32 $0xFFFFC000  }
0x35: {  	[hbm4b:s9+s2] =	stream.linear.scatter [tilespmem:s7], [sflag:$0x2], $0x4000, $0x38;
	[tilespmem:$0x8200] =	vst v63  }
0x36: {  	_ = 	snop  }
0x37: {  	[tilespmem:s10], [sflag:$0x1] =	stream.indirect.gather [hbm4b:s5+s6], $0x80, s6, s6, $0xb8;
	[tilespmem:$0x8200] =	vst v63  }
0x38: {  	_ =	swait.ge [sflag:s8], $0x4000  }
0x39: {  	[sflag:s8] =	ssyncset.done $0x0  }
0x3a: {  	[sflag:s8] =	ssyncadd.s32 $0xFFFFC000  }
0x3b: {  	[hbm4b:s12+s2] =	stream.linear.scatter [tilespmem:s10], [sflag:$0x2], $0x4000, $0x38;
	[tilespmem:$0x8200] =	vst v63  }
0x3c: {  	_ =	swait.ge [sflag:s11], $0x4000  }
0x3d: {  	[sflag:s11] =	ssyncset.done $0x0  }
0x3e: {  	[sflag:s11] =	ssyncadd.s32 $0xFFFFC000  }
0x3f: {  	[tilespmem:s7], [sflag:$0x1] =	stream.indirect.gather [hbm4b:s5+s6], $0x80, s13, s6, $0xb8;
	[tilespmem:$0x8200] =	vst v63  }
0x40: {  	_ =	swait.ge [sflag:s8], $0x4000  }
0x41: {  	[sflag:s8] =	ssyncset.done $0x0  }
0x42: {  	[sflag:s8] =	ssyncadd.s32 $0xFFFFC000  }
0x43: {  	[hbm4b:s14+s2] =	stream.linear.scatter [tilespmem:s7], [sflag:$0x2], $0x4000, $0x38;
	[tilespmem:$0x8200] =	vst v63  }
0x44: {  	_ =	swait.ge [sflag:s11], $0x4000  }
0x45: {  	[sflag:s11] =	ssyncset.done $0x0  }
0x46: {  	[sflag:s11] =	ssyncadd.s32 $0xFFFFC000  }
0x47: {  	[tilespmem:s10], [sflag:$0x1] =	stream.indirect.gather [hbm4b:s5+s6], $0x80, s15, s6, $0xb8;
	[tilespmem:$0x8200] =	vst v63  }
0x48: {  	_ =	swait.ge [sflag:s8], $0x4000  }
0x49: {  	[sflag:s8] =	ssyncset.done $0x0  }
0x4a: {  	[sflag:s8] =	ssyncadd.s32 $0xFFFFC000  }
0x4b: {  	[hbm4b:s16+s2] =	stream.linear.scatter [tilespmem:s10], [sflag:$0x2], $0x4000, $0x38;
	[tilespmem:$0x8200] =	vst v63  }
.Ltmp1:
0x4c: {  	_ =	swait.ge [sflag:s11], $0x4000;
	(pc) =	sbr.rel @p0 .LBB2_1-.Ltmp1, $4  }
0x4d: {  	[sflag:s11] =	ssyncset.done $0x0  }
0x4e: {  	[sflag:s11] =	ssyncadd.s32 $0xFFFFC000  }
0x4f: {  	_ =	swait.ge [sflag:s11], $0x4000  }
0x50: {  	[sflag:s11] =	ssyncset.done $0x0  }
.LBB2_2:
0x51: {  	[sflag:s11] =	ssyncadd.s32 $0xFFFFC000  }
0x52: {  	_ =	sfence.sel $0x180000  }
0x53: {  	[bflag:$0x0] =	sbarrier.arrive $0xFFFF  }
0x54: {  	p0 =	sne.s32 s0, $0x0;
	_ =	strace $0x90000047  }
0x55: {  	s0 =	sadd.s32 @!p0 $0x100000, s1;
	[bflag:$0x2] =	sbarrier.arrive $0xFFFF  }
0x56: {  	[sflag:s0] =	ssyncadd.tile.s32 @!p0 $0x1;
	_ =	shalt  }
.Lfunc_end2:
_tile_overlayer_lowered:
.L_overlay_start_2:
0x57: {  	(tag) =	ssettag $0x2  }
0x58: {  	s0 =	rddreg [dreg:$0x0];
	s2 =	stileid.u32  }
0x59: {  	s1 =	rddreg [dreg:$0x1];
	p0 =	sne.s32 s2, $0x0  }
0x5a: {  	s3 =	rddreg [dreg:$0x2];
	[bflag:$0x3] =	sbarrier.arrive $0xFFFF;
	s2 =	simm.s32 @!p0 $0x1C03  }
0x5b: {  	[timem:s3], [sflag:s2] =	dma.local @!p0 [hbm:s0], s1  }
0x5c: {  	s0 =	simm.s32 @!p0 $0x3  }
0x5d: {  	_ =	swait.ge @!p0 [sflag:s0], s1  }
0x5e: {  	s1 =	ssub.s32 @!p0 $0x0, s1;
	[sflag:s0] =	ssyncset.done @!p0 $0x0  }
0x5f: {  	[sflag:s0] =	ssyncadd.s32 @!p0 s1  }
0x60: {  	[bflag:$0x3] =	sbarrier.arrive $0xFFFF  }
0x61: {  	_ =	shalt  }

// kernel: kernel.8.cloned.1.call-start
scs
__scs_entry_jumppad:
0x0: {  	(pc) =	sbr.rel $0x88, $3  }
0x1: {  	(tag) =	ssettag $0x0;
	lr =	simm.s32 $0x1  }
0x2: {  	[smem:$0x3F95] =	sst lr;
	_ =	strace $0xD0000000  }
0x3: {  	_ = 	snop  }
0x4: {  	_ = 	snop  }
0x5: {  	_ = 	snop  }
0x6: {  	_ = 	snop  }
0x7: {  	_ = 	snop  }
__scs_overlays_trampoline_lowered:
0x8: {  	[smem:$0x3FA4] =	sst s0  }
0x9: {  	[smem:$0x3FA5] =	sst s1  }
0xa: {  	[smem:$0x3FA6] =	sst s2  }
0xb: {  	[smem:$0x3FA7] =	sst s3  }
0xc: {  	[smem:$0x3FA8] =	sst s4  }
0xd: {  	[smem:$0x3FA9] =	sst s5  }
0xe: {  	[smem:$0x3FAA] =	sst s6  }
0xf: {  	[smem:$0x3FAB] =	sst s7  }
0x10: {  	[smem:$0x3FAC] =	sst s8  }
0x11: {  	[smem:$0x3FAD] =	sst s9;
	s0 =	simm.s32 @!p0 $0x0  }
0x12: {  	s1 =	sld [smem:$0x3F93];
	s0 =	simm.s32 @p0 $0x1  }
0x13: {  	[smem:$0x3FAE] =	sst s0;
	s0 =	simm.s32 @!p1 $0x0  }
0x14: {  	s2 =	sld [smem:$0x3F92];
	s0 =	simm.s32 @p1 $0x1  }
0x15: {  	[smem:$0x3FAF] =	sst s0;
	s0 =	simm.s32 @!p2 $0x0  }
0x16: {  	s3 =	sld [smem:$0x3FDB];
	s0 =	simm.s32 @p2 $0x1  }
0x17: {  	s4 =	simm.s32 $0x1BF5;
	[smem:$0x3FB1] =	sst s0  }
0x18: {  	s0 =	sld [smem:$0x3F94];
	_ =	swait.ge [sflag:s4], $0x0  }
0x19: {  	s7 =	sld [smem:$0x3F95]  }
0x1a: {  	s8 =	sadd.s32 $0xFFFFE003, lr  }
0x1b: {  	s9 =	sadd.s32 $0xFFFFFEF7, lr;
	s5 =	simm.s32 $0xFFFFFFFF;
	p2 =	slt.u32 s8, $0xFFFFF086  }
0x1c: {  	p1 =	slt.u32 s9, $0xF7A;
	s5 =	simm.s32 @!p2 $0x0  }
0x1d: {  	s5 =	simm.s32 @p1 $0x1;
	p0 =	seq.s32 s7, s2  }
0x1e: {  	s7 =	smul.u32 @!p0 $0xF7A, s2;
	p2 =	seq.s32 @!p0 s5, $0x0  }
0x1f: {  	s9 =	smul.u32 $0xF7A, s1;
	s8 =	simm.s32 @!p0 $0x1BF5;
	p2 =	por !p2, p0  }
0x20: {  	[sflag:s8] =	ssyncset.s32 @!p0 $0xFFFFF086;
	s6 =	sadd.s32 @!p0 s3, s7;
	s7 =	simm.s32 @!p0 $0x108  }
0x21: {  	s3 =	sadd.s32 s3, s9;
	s6 =	sadd.s32 @!p0 $0x88, s6;
	s7 =	simm.s32 @p2 $0x1082  }
0x22: {  	[simem:s7], [sflag:s8] =	dma.local @!p0 [hbm:s6], $0xF7A  }
0x23: {  	s9 =	sor.u32 $0xD0000000, s2;
	s6 =	simm.s32 $0x108;
	_ =	swait.ge @!p0 [sflag:s8], $0x0  }
0x24: {  	s3 =	sadd.s32 $0x88, s3;
	s6 =	simm.s32 @!p1 $0x1082;
	[sflag:s4] =	ssyncset.s32 $0xFFFFF086  }
0x25: {  	[simem:s6], [sflag:s4] =	dma.local [hbm:s3], $0xF7A  }
0x26: {  	[smem:$0x3F95] =	sst s1;
	(tag) =	ssettag s2;
	_ =	strace s9  }
0x27: {  	s1 =	sld [smem:$0x3FA5]  }
0x28: {  	s2 =	sld [smem:$0x3FA6]  }
0x29: {  	s4 =	sld [smem:$0x3FA8]  }
0x2a: {  	p0 =	seq.s32 s5, $0x0;
	s5 =	sld [smem:$0x3FA9]  }
0x2b: {  	s6 =	sld [smem:$0x3FAA]  }
0x2c: {  	s7 =	sld [smem:$0x3FAB]  }
0x2d: {  	s3 =	simm.s32 $0x108;
	s8 =	sld [smem:$0x3FAC]  }
0x2e: {  	s3 =	simm.s32 @!p0 $0x1082;
	s9 =	sld [smem:$0x3FAD]  }
0x2f: {  	lr =	sadd.s32 s0, s3;
	s0 =	sld [smem:$0x3FA4]  }
0x30: {  	s3 =	sld [smem:$0x3FA7]  }
0x31: {  	[smem:$0x3FB0] =	sst s10  }
0x32: {  	s10 =	sld [smem:$0x3FAE];
	_ =	sdelay $0x3  }
0x33: {  	p0 =	seq.s32 s10, $0x1;
	s10 =	sld [smem:$0x3FB0];
	_ =	sdelay $0x3  }
0x34: {  	[smem:$0x3FB0] =	sst s10  }
0x35: {  	s10 =	sld [smem:$0x3FAF];
	_ =	sdelay $0x3  }
0x36: {  	p1 =	seq.s32 s10, $0x1;
	s10 =	sld [smem:$0x3FB0];
	_ =	sdelay $0x3  }
0x37: {  	[smem:$0x3FB0] =	sst s10  }
0x38: {  	s10 =	sld [smem:$0x3FB1]  }
0x39: {  	_ = 	snop;
	(pc) =	sbr.ind lr, $3  }
0x3a: {  	_ = 	snop  }
0x3b: {  	_ = 	snop  }
0x3c: {  	p2 =	seq.s32 s10, $0x1;
	s10 =	sld [smem:$0x3FB0]  }
0x3d: {  	_ =	shalt  }
0x3e: {  	_ =	shalt  }
0x3f: {  	_ =	shalt  }
0x40: {  	_ =	shalt  }
0x41: {  	_ =	shalt  }
0x42: {  	_ =	shalt  }
0x43: {  	_ =	shalt  }
0x44: {  	_ =	shalt  }
0x45: {  	_ =	shalt  }
0x46: {  	_ =	shalt  }
0x47: {  	_ =	shalt  }
0x48: {  	_ =	shalt  }
0x49: {  	_ =	shalt  }
0x4a: {  	_ =	shalt  }
0x4b: {  	_ =	shalt  }
0x4c: {  	_ =	shalt  }
0x4d: {  	_ =	shalt  }
0x4e: {  	_ =	shalt  }
0x4f: {  	_ =	shalt  }
0x50: {  	_ =	shalt  }
0x51: {  	_ =	shalt  }
0x52: {  	_ =	shalt  }
0x53: {  	_ =	shalt  }
0x54: {  	_ =	shalt  }
0x55: {  	_ =	shalt  }
0x56: {  	_ =	shalt  }
0x57: {  	_ =	shalt  }
0x58: {  	_ =	shalt  }
0x59: {  	_ =	shalt  }
0x5a: {  	_ =	shalt  }
0x5b: {  	_ =	shalt  }
0x5c: {  	_ =	shalt  }
0x5d: {  	_ =	shalt  }
0x5e: {  	_ =	shalt  }
0x5f: {  	_ =	shalt  }
0x60: {  	_ =	shalt  }
0x61: {  	_ =	shalt  }
0x62: {  	_ =	shalt  }
0x63: {  	_ =	shalt  }
0x64: {  	_ =	shalt  }
0x65: {  	_ =	shalt  }
0x66: {  	_ =	shalt  }
0x67: {  	_ =	shalt  }
0x68: {  	_ =	shalt  }
0x69: {  	_ =	shalt  }
0x6a: {  	_ =	shalt  }
0x6b: {  	_ =	shalt  }
0x6c: {  	_ =	shalt  }
0x6d: {  	_ =	shalt  }
0x6e: {  	_ =	shalt  }
0x6f: {  	_ =	shalt  }
0x70: {  	_ =	shalt  }
0x71: {  	_ =	shalt  }
0x72: {  	_ =	shalt  }
0x73: {  	_ =	shalt  }
0x74: {  	_ =	shalt  }
0x75: {  	_ =	shalt  }
0x76: {  	_ =	shalt  }
0x77: {  	_ =	shalt  }
0x78: {  	_ =	shalt  }
0x79: {  	_ =	shalt  }
0x7a: {  	_ =	shalt  }
0x7b: {  	_ =	shalt  }
0x7c: {  	_ =	shalt  }
0x7d: {  	_ =	shalt  }
0x7e: {  	_ =	shalt  }
0x7f: {  	_ =	shalt  }
0x80: {  	_ =	shalt  }
0x81: {  	_ =	shalt  }
0x82: {  	_ =	shalt  }
0x83: {  	_ =	shalt  }
0x84: {  	_ =	shalt  }
0x85: {  	_ =	shalt  }
0x86: {  	_ =	shalt  }
0x87: {  	_ =	shalt  }
.Lfunc_end0:
.L_simem_size_0:
called_computation_lowered:
.L_overlay_start_0:
0x88: {  	s2 =	sld [smem:$0x3FD9]  }
0x89: {  	s3 =	sld [smem:$0x3FFE];
	_ =	sdelay $0x1  }
0x8a: {  	s1 =	srdreg.scid  }
0x8b: {  	s0 =	sand.u32 $0x1, s1  }
0x8c: {  	s17 =	sshll.u32 s0, $0xA;
	s2 =	sadd.s32 s3, s2  }
0x8d: {  	s2 =	sadd.s32 s2, s17  }
0x8e: {  	[smem:$0x3FBC] =	sst s2  }
0x8f: {  	_ = 	snop  }
0x90: {  	s18 =	sld [smem:$0x3FD0];
	(tm) =	ssettm $0x1  }
0x91: {  	s19 =	sld [smem:$0x3FFB];
	_ =	sdelay $0x3  }
0x92: {  	_ =	strace s19  }
0x93: {  	s2 =	sld [smem:$0x3FFC];
	_ =	sdelay $0x3  }
0x94: {  	_ =	strace s2  }
0x95: {  	s2 =	sld [smem:$0x3FFD];
	_ =	sdelay $0x3  }
0x96: {  	_ =	strace s2  }
0x97: {  	_ =	strace $0x8FFFFFFF  }
0x98: {  	s20 =	sld [smem:$0x3FDB];
	_ =	sdelay $0x1  }
0x99: {  	s4 =	simm.s32 $_scs_section_size  }
0x9a: {  	s5 =	simm.s32 $_size__tile_overlayer_lowered;
	s6 =	simm.s32 $_tile_overlayer_lowered  }
0x9b: {  	s7 =	simm.s32 $0x1BFF;
	s21 =	sshll.u32 s6, $0x1;
	s4 =	sadd.s32 s4, s20  }
0x9c: {  	s22 =	simm.s32 $0x0;
	s5 =	sshll.u32 s5, $0x1;
	s6 =	sadd.s32 s21, s4  }
0x9d: {  	[timem:s22], [sflag:s7] =	dma.local [hbm:s6], s5  }
0x9e: {  	_ =	swait.ge [sflag:s7], s5  }
0x9f: {  	s5 =	ssub.s32 $0x0, s5;
	[sflag:s7] =	ssyncset.done $0x0  }
0xa0: {  	[sflag:s7] =	ssyncadd.s32 s5;
	_ =	sdelay $0x1  }
0xa1: {  	s23 =	simm.s32 $0x1B8B  }
0xa2: {  	_ =	swait.ge [sflag:s23], $0x1  }
0xa3: {  	[sflag:s23] =	ssyncset.done $0x0  }
0xa4: {  	[sflag:s23] =	ssyncadd.s32 $0xFFFFFFFF  }
0xa5: {  	s5 =	sld [smem:$0x0]  }
0xa6: {  	s6 =	sand.u32 $0xFFFFFFFE, s1  }
0xa7: {  	p0 =	sne.s32 s1, s6  }
0xa8: {  	s6 =	sshll.u32 @p0 s6, $0xE  }
0xa9: {  	s6 =	sadd.s32 @p0 $0x11B8D, s6;
	s7 =	sshll.u32 @p0 s5, $0x11  }
0xaa: {  	s6 =	sor.u32 @p0 s7, s6  }
0xab: {  	[sflag:s6] =	ssyncadd.remote.s32 @p0 $0x1;
	_ =	sdelay $0x1  }
0xac: {  	s6 =	simm.s32 @p0 $0x1B8D  }
0xad: {  	_ =	swait.eq @p0 [sflag:s6], $0x1  }
0xae: {  	[sflag:s6] =	ssyncadd.s32 @p0 $0xFFFFFFFF  }
0xaf: {  	s7 =	sshll.u32 @!p0 s1, $0xE  }
0xb0: {  	s7 =	sor.u32 @!p0 $0x4000, s7;
	s6 =	simm.s32 @!p0 $0x1B8D  }
0xb1: {  	s5 =	sshll.u32 @!p0 s5, $0x11;
	s7 =	sadd.s32 @!p0 $0x11B8D, s7;
	_ =	swait.eq @!p0 [sflag:s6], $0x1  }
0xb2: {  	s5 =	sor.u32 @!p0 s5, s7;
	[sflag:s6] =	ssyncadd.s32 @!p0 $0xFFFFFFFF  }
0xb3: {  	s25 =	simm.s32 $0x1B8E;
	s24 =	sld [smem:$0x3FFE];
	[sflag:s5] =	ssyncadd.remote.s32 @!p0 $0x1  }
0xb4: {  	s26 =	simm.s32 $execute0_lowered;
	[smem:$0x3FD2] =	sst s25  }
0xb5: {  	s6 =	sshll.u32 s26, $0x1;
	_ =	strace $0x80000049;
	[dreg:$0x1] =	wrdreg $0xFFFFFFFF  }
0xb6: {  	s28 =	simm.s32 $_size_execute0_lowered;
	s4 =	sadd.s32 s4, s6;
	[dreg:$0x0] =	wrdreg $0x0  }
0xb7: {  	s6 =	sshll.u32 s28, $0x1;
	[dreg:$0x2] =	wrdreg s4  }
0xb8: {  	[dreg:$0x3] =	wrdreg s6  }
0xb9: {  	[dreg:$0x4] =	wrdreg $0xC0  }
0xba: {  	_ =	task [dreg:s22], $0x5FFFF  }
0xbb: {  	[dreg:$0x1] =	wrdreg $0xFFFFFFFF  }
0xbc: {  	[dreg:$0x0] =	wrdreg $0x60  }
0xbd: {  	[dreg:$0x2] =	wrdreg s24  }
0xbe: {  	[dreg:$0x3] =	wrdreg s18  }
0xbf: {  	[dreg:$0x4] =	wrdreg $0x9  }
0xc0: {  	_ =	task.clear_ibuf [dreg:s22], $0x5FFFF;
	_ =	strace $0x90000049  }
0xc1: {  	s29 =	simm.s32 $0x9;
	_ =	strace $0x8000004B  }
0xc2: {  	_ =	swait.ge [sflag:s29], $0x1  }
0xc3: {  	[sflag:s29] =	ssyncadd.s32 $0xFFFFFFFF  }
0xc4: {  	_ =	strace $0x9000004B  }
0xc5: {  	_ =	sfence  }
0xc6: {  	s30 =	sld [smem:$0x0];
	_ =	sdelay $0x2  }
0xc7: {  	s31 =	sshll.u32 s1, $0xD;
	s1 =	sshrl.u32 s1, $0x2  }
0xc8: {  	s4 =	sand.u32 $0x4000, s31;
	s1 =	sadd.s32 s1, s30  }
0xc9: {  	s0 =	sor.u32 s4, s0;
	s1 =	sshll.u32 s1, $0x11  }
0xca: {  	s0 =	sor.u32 s1, s0  }
0xcb: {  	s0 =	sadd.s32 $0x8F2B, s0  }
0xcc: {  	[sflag:s0] =	ssyncadd.remote.s32 $0x1  }
0xcd: {  	_ =	sfence.sel $0xFFFF  }
0xce: {  	[dreg:$0x0] =	wrdreg $0xFFFFFFFF;
	(pc) =	sbr.abs _section_cstart, $3  }
0xcf: {  	[dreg:$0x1] =	wrdreg $0xFFFFFFFF  }
0xd0: {  	_ =	task.clear_ibuf [dreg:s22], $0x2FFFF;
	_ =	strace $0x9FFFFFFF  }
0xd1: {  	(tm) =	ssettm $0x7FFFFFFF  }
tec
execute0_lowered:
.L_overlay_start_1:
0x0: {  	(tag) =	ssettag $0x1  }
0x1: {  	s1 =	srdreg.scid  }
0x2: {  	s0 =	stileid.u32;
	s30 =	sand.u32 $0x1, s1  }
0x3: {  	s31 =	sshll.u32 s0, $0xA;
	s2 =	sshll.u32 s30, $0x9  }
0x4: {  	s13 =	rddreg [dreg:$0x0];
	s14 =	sor.u32 s2, s31  }
0x5: {  	s28 =	rddreg [dreg:$0x1];
	s2 =	simm.s32 $0x0;
	s3 =	sshrl.u32 s14, $0x3  }
0x6: {  	s4 =	simm.s32 $0x3;
	[smem:$0x7FF] =	sst s2;
	s5 =	sadd.s32 s3, s13  }
0x7: {  	s1 =	rddreg [dreg:$0x2];
	_ =	strace $0x8000004A;
	s3 =	sadd.s32 $0x904E00, s5  }
0x8: {  	[tilespmem:s2], [sflag:$0x3] =	stream.linear.gather [hbm4b:s3+s2], $0x200, $0x38;
	[tilespmem:$0x10400] =	vst v63  }
0x9: {  	_ =	swait.ge [sflag:s4], $0x200  }
0xa: {  	[sflag:s4] =	ssyncset.done $0x0  }
0xb: {  	s6 =	simm.s32 $0x200;
	s5 =	sadd.s32 $0x905600, s5;
	[sflag:s4] =	ssyncadd.s32 $0xFFFFFE00  }
0xc: {  	[tilespmem:s6], [sflag:$0x3] =	stream.linear.gather [hbm4b:s5+s2], $0x200, $0x38;
	[tilespmem:$0x10400] =	vst v63  }
0xd: {  	_ =	swait.ge [sflag:s4], $0x200  }
0xe: {  	s8 =	simm.s32 $0x80;
	[sflag:s4] =	ssyncset.done $0x0  }
0xf: {  	s9 =	simm.s32 $0x400;
	s7 =	sadd.s32 $0x802E00, s13;
	[sflag:s4] =	ssyncadd.s32 $0xFFFFFE00  }
0x10: {  	[tilespmem:s9], [sflag:$0x1] =	stream.indirect.gather [hbm4b:s7+s8], $0x80, s2, s8, $0xb8;
	[tilespmem:$0x10400] =	vst v63  }
0x11: {  	s11 =	simm.s32 $0x8400;
	s12 =	simm.s32 $0x1;
	s10 =	sadd.s32 $0x902E00, s13  }
0x12: {  	[tilespmem:s11], [sflag:$0x1] =	stream.indirect.gather [hbm4b:s10+s8], $0x80, s6, s8, $0xb8;
	[tilespmem:$0x10400] =	vst v63  }
0x13: {  	_ =	swait.ge [sflag:s12], $0x4000  }
0x14: {  	[sflag:s12] =	ssyncset.done $0x0  }
0x15: {  	[sflag:s12] =	ssyncadd.s32 $0xFFFFC000  }
0x16: {  	_ =	swait.ge [sflag:s12], $0x4000  }
0x17: {  	s31 =	sshll.u32 s14, $0x4;
	[sflag:s12] =	ssyncset.done $0x0  }
0x18: {  	s29 =	sadd.s32 $0x905E00, s13;
	s13 =	sadd.s32 s28, s31;
	[sflag:s12] =	ssyncadd.s32 $0xFFFFC000  }
0x19: {  	[hbm4b:s13+s2] =	stream.linear.scatter [tilespmem:s9], [sflag:$0x2], $0x4000, $0x38;
	[tilespmem:$0x10400] =	vst v63  }
0x1a: {  	s14 =	sadd.s32 s29, s31  }
0x1b: {  	[hbm4b:s14+s2] =	stream.linear.scatter [tilespmem:s11], [sflag:$0x2], $0x4000, $0x38;
	[tilespmem:$0x10400] =	vst v63  }
0x1c: {  	s15 =	simm.s32 $0x4400  }
0x1d: {  	[tilespmem:s15], [sflag:$0x1] =	stream.indirect.gather [hbm4b:s7+s8], $0x80, s8, s8, $0xb8;
	[tilespmem:$0x10400] =	vst v63  }
0x1e: {  	s16 =	simm.s32 $0x280;
	s17 =	simm.s32 $0xC400  }
0x1f: {  	[tilespmem:s17], [sflag:$0x1] =	stream.indirect.gather [hbm4b:s10+s8], $0x80, s16, s8, $0xb8;
	[tilespmem:$0x10400] =	vst v63  }
0x20: {  	_ =	swait.ge [sflag:s12], $0x4000  }
0x21: {  	[sflag:s12] =	ssyncset.done $0x0  }
0x22: {  	[sflag:s12] =	ssyncadd.s32 $0xFFFFC000  }
0x23: {  	_ =	swait.ge [sflag:s12], $0x4000  }
0x24: {  	s19 =	sor.u32 $0x800, s31;
	[sflag:s12] =	ssyncset.done $0x0  }
0x25: {  	s18 =	sadd.s32 s28, s19;
	[sflag:s12] =	ssyncadd.s32 $0xFFFFC000  }
0x26: {  	[hbm4b:s18+s2] =	stream.linear.scatter [tilespmem:s15], [sflag:$0x2], $0x4000, $0x38;
	[tilespmem:$0x10400] =	vst v63  }
0x27: {  	s20 =	sadd.s32 s29, s19;
	s19 =	simm.s32 $0x2  }
0x28: {  	[hbm4b:s20+s2] =	stream.linear.scatter [tilespmem:s17], [sflag:$0x2], $0x4000, $0x38;
	[tilespmem:$0x10400] =	vst v63  }
0x29: {  	_ =	swait.ge [sflag:s19], $0x4000  }
0x2a: {  	[sflag:s19] =	ssyncset.done $0x0  }
0x2b: {  	[sflag:s19] =	ssyncadd.s32 $0xFFFFC000  }
0x2c: {  	_ =	swait.ge [sflag:s19], $0x4000  }
0x2d: {  	[sflag:s19] =	ssyncset.done $0x0  }
0x2e: {  	s21 =	simm.s32 $0x100;
	[sflag:s19] =	ssyncadd.s32 $0xFFFFC000  }
0x2f: {  	[tilespmem:s9], [sflag:$0x1] =	stream.indirect.gather [hbm4b:s7+s8], $0x80, s21, s8, $0xb8;
	[tilespmem:$0x10400] =	vst v63  }
0x30: {  	s22 =	simm.s32 $0x300  }
0x31: {  	[tilespmem:s11], [sflag:$0x1] =	stream.indirect.gather [hbm4b:s10+s8], $0x80, s22, s8, $0xb8;
	[tilespmem:$0x10400] =	vst v63  }
0x32: {  	_ =	swait.ge [sflag:s12], $0x4000  }
0x33: {  	[sflag:s12] =	ssyncset.done $0x0  }
0x34: {  	[sflag:s12] =	ssyncadd.s32 $0xFFFFC000  }
0x35: {  	_ =	swait.ge [sflag:s12], $0x4000  }
0x36: {  	s24 =	sor.u32 $0x1000, s31;
	[sflag:s12] =	ssyncset.done $0x0  }
0x37: {  	s23 =	sadd.s32 s28, s24;
	[sflag:s12] =	ssyncadd.s32 $0xFFFFC000  }
0x38: {  	[hbm4b:s23+s2] =	stream.linear.scatter [tilespmem:s9], [sflag:$0x2], $0x4000, $0x38;
	[tilespmem:$0x10400] =	vst v63  }
0x39: {  	s24 =	sadd.s32 s29, s24  }
0x3a: {  	[hbm4b:s24+s2] =	stream.linear.scatter [tilespmem:s11], [sflag:$0x2], $0x4000, $0x38;
	[tilespmem:$0x10400] =	vst v63  }
0x3b: {  	_ =	swait.ge [sflag:s19], $0x4000  }
0x3c: {  	[sflag:s19] =	ssyncset.done $0x0  }
0x3d: {  	[sflag:s19] =	ssyncadd.s32 $0xFFFFC000  }
0x3e: {  	_ =	swait.ge [sflag:s19], $0x4000  }
0x3f: {  	[sflag:s19] =	ssyncset.done $0x0  }
0x40: {  	s25 =	simm.s32 $0x180;
	[sflag:s19] =	ssyncadd.s32 $0xFFFFC000  }
0x41: {  	[tilespmem:s15], [sflag:$0x1] =	stream.indirect.gather [hbm4b:s7+s8], $0x80, s25, s8, $0xb8;
	[tilespmem:$0x10400] =	vst v63  }
0x42: {  	s26 =	simm.s32 $0x380  }
0x43: {  	[tilespmem:s17], [sflag:$0x1] =	stream.indirect.gather [hbm4b:s10+s8], $0x80, s26, s8, $0xb8;
	[tilespmem:$0x10400] =	vst v63  }
0x44: {  	_ =	swait.ge [sflag:s12], $0x4000  }
0x45: {  	[sflag:s12] =	ssyncset.done $0x0  }
0x46: {  	[sflag:s12] =	ssyncadd.s32 $0xFFFFC000  }
0x47: {  	_ =	swait.ge [sflag:s12], $0x4000  }
0x48: {  	s31 =	sor.u32 $0x1800, s31;
	[sflag:s12] =	ssyncset.done $0x0  }
0x49: {  	s28 =	sadd.s32 s28, s31;
	[sflag:s12] =	ssyncadd.s32 $0xFFFFC000  }
0x4a: {  	[hbm4b:s28+s2] =	stream.linear.scatter [tilespmem:s15], [sflag:$0x2], $0x4000, $0x38;
	[tilespmem:$0x10400] =	vst v63  }
0x4b: {  	s29 =	sadd.s32 s29, s31  }
0x4c: {  	[hbm4b:s29+s2] =	stream.linear.scatter [tilespmem:s17], [sflag:$0x2], $0x4000, $0x38;
	[tilespmem:$0x10400] =	vst v63  }
0x4d: {  	_ =	swait.ge [sflag:s19], $0x4000  }
0x4e: {  	s30 =	ssub.s32 $0x2, s30;
	[sflag:s19] =	ssyncset.done $0x0  }
0x4f: {  	s31 =	sshrl.u32 s30, $0x1;
	[sflag:s19] =	ssyncadd.s32 $0xFFFFC000  }
0x50: {  	s30 =	ssub.s32 s30, s31;
	_ =	swait.ge [sflag:s19], $0x4000  }
0x51: {  	s30 =	smax.u32 s30, $0x1;
	[sflag:s19] =	ssyncset.done $0x0  }
0x52: {  	p0 =	sne.s32 s30, $0x1;
	[sflag:s19] =	ssyncadd.s32 $0xFFFFC000  }
.Ltmp0:
0x53: {  	_ =	swait.ge [sflag:s19], $0x4000;
	(pc) =	sbr.rel @!p0 .LBB2_2-.Ltmp0, $4  }
0x54: {  	[sflag:s19] =	ssyncset.done $0x0  }
0x55: {  	[sflag:s19] =	ssyncadd.s32 $0xFFFFC000  }
0x56: {  	_ =	swait.ge [sflag:s19], $0x4000  }
0x57: {  	s30 =	sadd.s32 $0xFFFFFFFF, s30;
	[sflag:s19] =	ssyncset.done $0x0  }
.LBB2_1:
0x58: {  	p0 =	sne.s32 s30, $0x1;
	s30 =	sadd.s32 $0xFFFFFFFF, s30;
	[sflag:s19] =	ssyncadd.s32 $0xFFFFC000  }
0x59: {  	[tilespmem:s2], [sflag:$0x3] =	stream.linear.gather [hbm4b:s3+s2], $0x200, $0x38;
	[tilespmem:$0x10400] =	vst v63  }
0x5a: {  	_ =	swait.ge [sflag:s4], $0x200  }
0x5b: {  	[sflag:s4] =	ssyncset.done $0x0  }
0x5c: {  	[sflag:s4] =	ssyncadd.s32 $0xFFFFFE00  }
0x5d: {  	[tilespmem:s6], [sflag:$0x3] =	stream.linear.gather [hbm4b:s5+s2], $0x200, $0x38;
	[tilespmem:$0x10400] =	vst v63  }
0x5e: {  	_ =	swait.ge [sflag:s4], $0x200  }
0x5f: {  	[sflag:s4] =	ssyncset.done $0x0  }
0x60: {  	[sflag:s4] =	ssyncadd.s32 $0xFFFFFE00  }
0x61: {  	[tilespmem:s9], [sflag:$0x1] =	stream.indirect.gather [hbm4b:s7+s8], $0x80, s2, s8, $0xb8;
	[tilespmem:$0x10400] =	vst v63  }
0x62: {  	_ = 	snop  }
0x63: {  	[tilespmem:s11], [sflag:$0x1] =	stream.indirect.gather [hbm4b:s10+s8], $0x80, s6, s8, $0xb8;
	[tilespmem:$0x10400] =	vst v63  }
0x64: {  	_ =	swait.ge [sflag:s12], $0x4000  }
0x65: {  	[sflag:s12] =	ssyncset.done $0x0  }
0x66: {  	[sflag:s12] =	ssyncadd.s32 $0xFFFFC000  }
0x67: {  	_ =	swait.ge [sflag:s12], $0x4000  }
0x68: {  	[sflag:s12] =	ssyncset.done $0x0  }
0x69: {  	[sflag:s12] =	ssyncadd.s32 $0xFFFFC000  }
0x6a: {  	[hbm4b:s13+s2] =	stream.linear.scatter [tilespmem:s9], [sflag:$0x2], $0x4000, $0x38;
	[tilespmem:$0x10400] =	vst v63  }
0x6b: {  	_ = 	snop  }
0x6c: {  	[hbm4b:s14+s2] =	stream.linear.scatter [tilespmem:s11], [sflag:$0x2], $0x4000, $0x38;
	[tilespmem:$0x10400] =	vst v63  }
0x6d: {  	_ = 	snop  }
0x6e: {  	[tilespmem:s15], [sflag:$0x1] =	stream.indirect.gather [hbm4b:s7+s8], $0x80, s8, s8, $0xb8;
	[tilespmem:$0x10400] =	vst v63  }
0x6f: {  	_ = 	snop  }
0x70: {  	[tilespmem:s17], [sflag:$0x1] =	stream.indirect.gather [hbm4b:s10+s8], $0x80, s16, s8, $0xb8;
	[tilespmem:$0x10400] =	vst v63  }
0x71: {  	_ =	swait.ge [sflag:s12], $0x4000  }
0x72: {  	[sflag:s12] =	ssyncset.done $0x0  }
0x73: {  	[sflag:s12] =	ssyncadd.s32 $0xFFFFC000  }
0x74: {  	_ =	swait.ge [sflag:s12], $0x4000  }
0x75: {  	[sflag:s12] =	ssyncset.done $0x0  }
0x76: {  	[sflag:s12] =	ssyncadd.s32 $0xFFFFC000  }
0x77: {  	[hbm4b:s18+s2] =	stream.linear.scatter [tilespmem:s15], [sflag:$0x2], $0x4000, $0x38;
	[tilespmem:$0x10400] =	vst v63  }
0x78: {  	_ = 	snop  }
0x79: {  	[hbm4b:s20+s2] =	stream.linear.scatter [tilespmem:s17], [sflag:$0x2], $0x4000, $0x38;
	[tilespmem:$0x10400] =	vst v63  }
0x7a: {  	_ =	swait.ge [sflag:s19], $0x4000  }
0x7b: {  	[sflag:s19] =	ssyncset.done $0x0  }
0x7c: {  	[sflag:s19] =	ssyncadd.s32 $0xFFFFC000  }
0x7d: {  	_ =	swait.ge [sflag:s19], $0x4000  }
0x7e: {  	[sflag:s19] =	ssyncset.done $0x0  }
0x7f: {  	[sflag:s19] =	ssyncadd.s32 $0xFFFFC000  }
0x80: {  	[tilespmem:s9], [sflag:$0x1] =	stream.indirect.gather [hbm4b:s7+s8], $0x80, s21, s8, $0xb8;
	[tilespmem:$0x10400] =	vst v63  }
0x81: {  	_ = 	snop  }
0x82: {  	[tilespmem:s11], [sflag:$0x1] =	stream.indirect.gather [hbm4b:s10+s8], $0x80, s22, s8, $0xb8;
	[tilespmem:$0x10400] =	vst v63  }
0x83: {  	_ =	swait.ge [sflag:s12], $0x4000  }
0x84: {  	[sflag:s12] =	ssyncset.done $0x0  }
0x85: {  	[sflag:s12] =	ssyncadd.s32 $0xFFFFC000  }
0x86: {  	_ =	swait.ge [sflag:s12], $0x4000  }
0x87: {  	[sflag:s12] =	ssyncset.done $0x0  }
0x88: {  	[sflag:s12] =	ssyncadd.s32 $0xFFFFC000  }
0x89: {  	[hbm4b:s23+s2] =	stream.linear.scatter [tilespmem:s9], [sflag:$0x2], $0x4000, $0x38;
	[tilespmem:$0x10400] =	vst v63  }
0x8a: {  	_ = 	snop  }
0x8b: {  	[hbm4b:s24+s2] =	stream.linear.scatter [tilespmem:s11], [sflag:$0x2], $0x4000, $0x38;
	[tilespmem:$0x10400] =	vst v63  }
0x8c: {  	_ =	swait.ge [sflag:s19], $0x4000  }
0x8d: {  	[sflag:s19] =	ssyncset.done $0x0  }
0x8e: {  	[sflag:s19] =	ssyncadd.s32 $0xFFFFC000  }
0x8f: {  	_ =	swait.ge [sflag:s19], $0x4000  }
0x90: {  	[sflag:s19] =	ssyncset.done $0x0  }
0x91: {  	[sflag:s19] =	ssyncadd.s32 $0xFFFFC000  }
0x92: {  	[tilespmem:s15], [sflag:$0x1] =	stream.indirect.gather [hbm4b:s7+s8], $0x80, s25, s8, $0xb8;
	[tilespmem:$0x10400] =	vst v63  }
0x93: {  	_ = 	snop  }
0x94: {  	[tilespmem:s17], [sflag:$0x1] =	stream.indirect.gather [hbm4b:s10+s8], $0x80, s26, s8, $0xb8;
	[tilespmem:$0x10400] =	vst v63  }
0x95: {  	_ =	swait.ge [sflag:s12], $0x4000  }
0x96: {  	[sflag:s12] =	ssyncset.done $0x0  }
0x97: {  	[sflag:s12] =	ssyncadd.s32 $0xFFFFC000  }
0x98: {  	_ =	swait.ge [sflag:s12], $0x4000  }
0x99: {  	[sflag:s12] =	ssyncset.done $0x0  }
0x9a: {  	[sflag:s12] =	ssyncadd.s32 $0xFFFFC000  }
0x9b: {  	[hbm4b:s28+s2] =	stream.linear.scatter [tilespmem:s15], [sflag:$0x2], $0x4000, $0x38;
	[tilespmem:$0x10400] =	vst v63  }
0x9c: {  	_ = 	snop  }
0x9d: {  	[hbm4b:s29+s2] =	stream.linear.scatter [tilespmem:s17], [sflag:$0x2], $0x4000, $0x38;
	[tilespmem:$0x10400] =	vst v63  }
0x9e: {  	_ =	swait.ge [sflag:s19], $0x4000  }
0x9f: {  	[sflag:s19] =	ssyncset.done $0x0  }
0xa0: {  	[sflag:s19] =	ssyncadd.s32 $0xFFFFC000  }
0xa1: {  	_ =	swait.ge [sflag:s19], $0x4000  }
0xa2: {  	[sflag:s19] =	ssyncset.done $0x0  }
0xa3: {  	[sflag:s19] =	ssyncadd.s32 $0xFFFFC000  }
.Ltmp1:
0xa4: {  	_ =	swait.ge [sflag:s19], $0x4000;
	(pc) =	sbr.rel @p0 .LBB2_1-.Ltmp1, $4  }
0xa5: {  	[sflag:s19] =	ssyncset.done $0x0  }
0xa6: {  	[sflag:s19] =	ssyncadd.s32 $0xFFFFC000  }
0xa7: {  	_ =	swait.ge [sflag:s19], $0x4000  }
0xa8: {  	[sflag:s19] =	ssyncset.done $0x0  }
.LBB2_2:
0xa9: {  	[sflag:s19] =	ssyncadd.s32 $0xFFFFC000  }
0xaa: {  	_ =	sfence.sel $0x180000  }
0xab: {  	[bflag:$0x0] =	sbarrier.arrive $0xFFFF  }
0xac: {  	p0 =	sne.s32 s0, $0x0;
	_ =	strace $0x9000004A  }
0xad: {  	s0 =	sadd.s32 @!p0 $0x100000, s1;
	[bflag:$0x2] =	sbarrier.arrive $0xFFFF  }
0xae: {  	[sflag:s0] =	ssyncadd.tile.s32 @!p0 $0x1;
	_ =	shalt  }
.Lfunc_end2:
_tile_overlayer_lowered:
.L_overlay_start_2:
0xaf: {  	(tag) =	ssettag $0x2  }
0xb0: {  	s0 =	rddreg [dreg:$0x0];
	s2 =	stileid.u32  }
0xb1: {  	s1 =	rddreg [dreg:$0x1];
	p0 =	sne.s32 s2, $0x0  }
0xb2: {  	s3 =	rddreg [dreg:$0x2];
	[bflag:$0x3] =	sbarrier.arrive $0xFFFF;
	s2 =	simm.s32 @!p0 $0x1C03  }
0xb3: {  	[timem:s3], [sflag:s2] =	dma.local @!p0 [hbm:s0], s1  }
0xb4: {  	s0 =	simm.s32 @!p0 $0x3  }
0xb5: {  	_ =	swait.ge @!p0 [sflag:s0], s1  }
0xb6: {  	s1 =	ssub.s32 @!p0 $0x0, s1;
	[sflag:s0] =	ssyncset.done @!p0 $0x0  }
0xb7: {  	[sflag:s0] =	ssyncadd.s32 @!p0 s1  }
0xb8: {  	[bflag:$0x3] =	sbarrier.arrive $0xFFFF  }
0xb9: {  	_ =	shalt  }

</sc_bundles>
